<compile_context>
chip_gen: v7x
topology: tpu7x:2x2x1
jax: 0.10.2.dev20260603
libtpu: 0.0.44.dev20260713+nightly
codegen_flags: <defaults>
</compile_context>

<pallas_src>
import functools

import jax
import jax.numpy as jnp
from jax import lax
from jax.experimental import pallas as pl
from jax.experimental.pallas import tpu as pltpu
from jax.experimental.pallas import tpu_sc as plsc

N = 10000
E = 320000
D = 128
H = 128
B = 64

NP = 10240
NC = 2
NS = 16
NW = NC * NS
K = 128
EP = 327680
CHUNKS = EP // (NW * K)
ROWS_PER_TILE = NP // NS

_mesh = plsc.VectorSubcoreMesh(core_axis_name="c", subcore_axis_name="s",
                               num_cores=NC, num_subcores=NS)


IB = 40


@functools.partial(
    pl.kernel,
    out_type=jax.ShapeDtypeStruct((NC, NP, D), jnp.float32),
    mesh=_mesh,
    scratch_types=[
        pltpu.VMEM((IB, K), jnp.int32),
        pltpu.VMEM((IB, K), jnp.int32),
        pltpu.VMEM((K, D), jnp.float32),
        pltpu.VMEM((K, D), jnp.float32),
        pltpu.VMEM_SHARED((NP, D), jnp.float32),
        pltpu.SemaphoreType.DMA,
        pltpu.SemaphoreType.DMA,
    ],
)
def _seg_sum_rows(x_hbm, src_hbm, dst_hbm, zeros_hbm, out_hbm,
                  srcv, dstv, bufa, bufb, acc, sema, semb):
    c = lax.axis_index("c")
    s = lax.axis_index("s")
    w = s * NC + c
    pltpu.sync_copy(zeros_hbm.at[pl.ds(s * ROWS_PER_TILE, ROWS_PER_TILE)],
                    acc.at[pl.ds(s * ROWS_PER_TILE, ROWS_PER_TILE)])
    plsc.subcore_barrier()

    for blk in range(CHUNKS // IB):
        base = w * CHUNKS + blk * IB
        pltpu.sync_copy(src_hbm.at[pl.ds(base, IB)], srcv)
        pltpu.sync_copy(dst_hbm.at[pl.ds(base, IB)], dstv)

        pltpu.async_copy(x_hbm.at[srcv.at[0]], bufa, sema)

        def body(j, _):
            jj = 2 * j
            pltpu.async_copy(x_hbm.at[srcv.at[jj + 1]], bufb, semb)
            pltpu.make_async_copy(x_hbm.at[srcv.at[jj]], bufa, sema).wait()
            pltpu.sync_copy(bufa, acc.at[dstv.at[jj]], add=True)

            @pl.when(jj + 2 < IB)
            def _():
                pltpu.async_copy(x_hbm.at[srcv.at[jj + 2]], bufa, sema)

            pltpu.make_async_copy(x_hbm.at[srcv.at[jj + 1]], bufb, semb).wait()
            pltpu.sync_copy(bufb, acc.at[dstv.at[jj + 1]], add=True)
            return _

        lax.fori_loop(0, IB // 2, body, None)

    plsc.subcore_barrier()
    pltpu.sync_copy(acc.at[pl.ds(s * ROWS_PER_TILE, ROWS_PER_TILE)],
                    out_hbm.at[c, pl.ds(s * ROWS_PER_TILE, ROWS_PER_TILE)])


@functools.partial(
    pl.kernel,
    out_type=jax.ShapeDtypeStruct((NC, NP), jnp.float32),
    mesh=_mesh,
    scratch_types=[
        pltpu.VMEM((CHUNKS, K), jnp.int32),
        pltpu.VMEM((CHUNKS, K), jnp.int32),
        pltpu.VMEM((K,), jnp.float32),
        pltpu.VMEM((K,), jnp.float32),
        pltpu.VMEM_SHARED((NP,), jnp.float32),
        pltpu.SemaphoreType.DMA,
        pltpu.SemaphoreType.DMA,
    ],
)
def _seg_sum_scalar(s_hbm, src_hbm, dst_hbm, zeros_hbm, out_hbm,
                    srcv, dstv, bufa, bufb, acc, sema, semb):
    c = lax.axis_index("c")
    s = lax.axis_index("s")
    w = s * NC + c
    pltpu.sync_copy(zeros_hbm.at[pl.ds(s * ROWS_PER_TILE, ROWS_PER_TILE)],
                    acc.at[pl.ds(s * ROWS_PER_TILE, ROWS_PER_TILE)])
    pltpu.sync_copy(src_hbm.at[pl.ds(w * CHUNKS, CHUNKS)], srcv)
    pltpu.sync_copy(dst_hbm.at[pl.ds(w * CHUNKS, CHUNKS)], dstv)
    plsc.subcore_barrier()

    pltpu.async_copy(s_hbm.at[srcv.at[0]], bufa, sema)

    def body(j, _):
        jj = 2 * j

        @pl.when(jj + 1 < CHUNKS)
        def _():
            pltpu.async_copy(s_hbm.at[srcv.at[jj + 1]], bufb, semb)

        pltpu.make_async_copy(s_hbm.at[srcv.at[jj]], bufa, sema).wait()
        pltpu.sync_copy(bufa, acc.at[dstv.at[jj]], add=True)

        @pl.when(jj + 2 < CHUNKS)
        def _():
            pltpu.async_copy(s_hbm.at[srcv.at[jj + 2]], bufa, sema)

        @pl.when(jj + 1 < CHUNKS)
        def _():
            pltpu.make_async_copy(s_hbm.at[srcv.at[jj + 1]], bufb, semb).wait()
            pltpu.sync_copy(bufb, acc.at[dstv.at[jj + 1]], add=True)

        return _

    lax.fori_loop(0, (CHUNKS + 1) // 2, body, None)
    plsc.subcore_barrier()
    pltpu.sync_copy(acc.at[pl.ds(s * ROWS_PER_TILE, ROWS_PER_TILE)],
                    out_hbm.at[c, pl.ds(s * ROWS_PER_TILE, ROWS_PER_TILE)])


_RB = 1024


def _embed_body(x_ref, p_ref, w1_ref, b1_ref, w2_ref, g_ref, s_out, gp_out):
    i = pl.program_id(0)
    xa = x_ref[...] + p_ref[0] + p_ref[1]
    e = jnp.maximum(
        jnp.dot(xa, w1_ref[...], preferred_element_type=jnp.float32)
        + b1_ref[...], 0.0)
    s_out[...] = jnp.dot(e, w2_ref[...], preferred_element_type=jnp.float32)
    oh = (g_ref[...] == lax.broadcasted_iota(jnp.int32, (_RB, B), 1)
          ).astype(jnp.float32)
    gp = lax.dot_general(oh, e, (((0,), (0,)), ((), ())),
                         preferred_element_type=jnp.float32)

    @pl.when(i == 0)
    def _():
        gp_out[...] = gp

    @pl.when(i > 0)
    def _():
        gp_out[...] += gp


def _embed_stage():
    return pl.pallas_call(
        _embed_body,
        grid=(NP // _RB,),
        in_specs=[
            pl.BlockSpec((_RB, D), lambda i: (i, 0)),
            pl.BlockSpec((NC, _RB, D), lambda i: (0, i, 0)),
            pl.BlockSpec((D, H), lambda i: (0, 0)),
            pl.BlockSpec((1, H), lambda i: (0, 0)),
            pl.BlockSpec((H, 1), lambda i: (0, 0)),
            pl.BlockSpec((_RB, 1), lambda i: (i, 0)),
        ],
        out_specs=[
            pl.BlockSpec((_RB, 1), lambda i: (i, 0)),
            pl.BlockSpec((B, H), lambda i: (0, 0)),
        ],
        out_shape=[
            jax.ShapeDtypeStruct((NP, 1), jnp.float32),
            jax.ShapeDtypeStruct((B, H), jnp.float32),
        ],
    )


def _merge_body(s_ref, t_ref, g_ref, gp_ref, wv_ref, bv_ref, b2_ref, out_ref):
    adv = 2.0 * jnp.tanh(s_ref[...] + t_ref[0] + t_ref[1] + b2_ref[0, 0])
    oh = (g_ref[...] == lax.broadcasted_iota(jnp.int32, (NP, B), 1)
          ).astype(jnp.float32)
    adv_sum = lax.dot_general(oh, adv, (((0,), (0,)), ((), ())),
                              preferred_element_type=jnp.float32)
    counts = lax.dot_general(oh, jnp.ones_like(adv), (((0,), (0,)), ((), ())),
                             preferred_element_type=jnp.float32)
    value = jnp.tanh(
        jnp.dot(gp_ref[...], wv_ref[...], preferred_element_type=jnp.float32)
        + bv_ref[0, 0])
    vm = value - adv_sum / jnp.maximum(counts, 1.0)
    per_node = jnp.dot(oh, vm, preferred_element_type=jnp.float32)
    out_ref[...] = jnp.tanh(per_node + adv)


def kernel(x, edge_index, graph_indices, W1, b1, W2, b2, Wv, bv):
    f32 = jnp.float32
    pad_e = EP - E
    src2 = jnp.concatenate(
        [edge_index[0], jnp.zeros((pad_e,), jnp.int32)]).reshape(EP // K, K)
    dst2 = jnp.concatenate(
        [edge_index[1], jnp.full((pad_e,), NP - 1, jnp.int32)]
    ).reshape(EP // K, K)
    x_pad = jnp.pad(x, ((0, NP - N), (0, 0)))
    g_pad = jnp.pad(graph_indices, (0, NP - N), constant_values=B)
    zeros2d = jnp.zeros((NP, D), f32)
    zeros1d = jnp.zeros((NP,), f32)

    p = _seg_sum_rows(x_pad, src2, dst2, zeros2d)

    s_col, gp = _embed_stage()(x_pad, p, W1, b1[None, :], W2, g_pad[:, None])

    t = _seg_sum_scalar(s_col[:, 0], src2, dst2, zeros1d)

    out = pl.pallas_call(
        _merge_body,
        out_shape=jax.ShapeDtypeStruct((NP, 1), jnp.float32),
    )(s_col, t[:, :, None], g_pad[:, None], gp, Wv,
      bv[None, :], b2[None, :])
    return out[:N, 0]

# --- scband reference (transcript-rebuilt; emitter-appended) ---
"""Pipeline reference for scband-duelling-18227841204591 (READ-ONLY COPY).

The authoritative reference and input builder live on the scoring server;
editing this copy changes nothing except your own understanding.
"""

import jax, jax.numpy as jnp
import numpy as np

N = 10000
E = 320000
D = 128
H = 128
B = 64


def setup_inputs(seed: int = 0) -> dict:
    key = jax.random.key(seed)
    ks = jax.random.split(key, 10)
    x = jax.random.normal(ks[0], (N, D), dtype=jnp.float32)
    edge_index = jax.random.randint(ks[1], (2, E), 0, N, dtype=jnp.int32)
    graph_indices = jnp.sort(jax.random.randint(ks[2], (N,), 0, B, dtype=jnp.int32))
    # GNN body: single message-passing layer (aggregate neighbors + linear + relu)
    W1 = jax.random.normal(ks[3], (D, H), dtype=jnp.float32) * 0.05
    b1 = jnp.zeros((H,), dtype=jnp.float32)
    # advantage_head: message-passing layer to 1 channel (policy_head(hidden_channels, 1))
    W2 = jax.random.normal(ks[4], (H, 1), dtype=jnp.float32) * 0.05
    b2 = jnp.zeros((1,), dtype=jnp.float32)
    # value_head: Linear(hidden_channels, 1)
    Wv = jax.random.normal(ks[5], (H, 1), dtype=jnp.float32) * 0.05
    bv = jnp.zeros((1,), dtype=jnp.float32)
    return {"x": x, "edge_index": edge_index, "graph_indices": graph_indices,
            "W1": W1, "b1": b1, "W2": W2, "b2": b2, "Wv": Wv, "bv": bv}


def reference(x, edge_index, graph_indices, W1, b1, W2, b2, Wv, bv):
    src = edge_index[0]
    dst = edge_index[1]
    # self.gnn(x, edge_index) -> embeds
    agg = jax.ops.segment_sum(x[src], dst, num_segments=N)
    embeds = jax.nn.relu((x + agg) @ W1 + b1)
    # advantages = 2 * tanh(advantage_head(embeds, edge_index))
    agg2 = jax.ops.segment_sum(embeds[src], dst, num_segments=N)
    adv = (embeds + agg2) @ W2 + b2
    advantages = 2.0 * jnp.tanh(adv)
    # graph_parts = scatter(embeds, graph_indices, reduce='sum')
    graph_parts = jax.ops.segment_sum(embeds, graph_indices, num_segments=B)
    # value = tanh(value_head(graph_parts))
    value = jnp.tanh(graph_parts @ Wv + bv)
    # adv_means = scatter(advantages, graph_indices, dim_size=batch_size, reduce='mean')
    counts = jax.ops.segment_sum(jnp.ones((N, 1), dtype=jnp.float32), graph_indices, num_segments=B)
    adv_sum = jax.ops.segment_sum(advantages, graph_indices, num_segments=B)
    adv_means = adv_sum / jnp.maximum(counts, 1.0)
    out = jnp.tanh((value[graph_indices] + (advantages - adv_means[graph_indices])).squeeze())
    return out

if __name__ == "__main__":
    import jax
    _d = setup_inputs()
    print(jax.jit(kernel)(*tuple(_d.values())))

</pallas_src>

<mosaic_0001>
#map = affine_map<(d0, d1) -> (0, 0)>
#map1 = affine_map<(d0, d1) -> (0, 0, 0)>
module attributes {stable_mosaic.version = 14 : i64} {
  func.func @_seg_sum_rows(%arg0: i32, %arg1: i32, %arg2: memref<10240x128xf32, #tpu.memory_space<hbm>>, %arg3: memref<2560x128xi32, #tpu.memory_space<hbm>>, %arg4: memref<2560x128xi32, #tpu.memory_space<hbm>>, %arg5: memref<10240x128xf32, #tpu.memory_space<hbm>>, %arg6: memref<2x10240x128xf32, #tpu.memory_space<hbm>>, %arg7: memref<40x128xi32, #tpu.memory_space<vmem>>, %arg8: memref<40x128xi32, #tpu.memory_space<vmem>>, %arg9: memref<128x128xf32, #tpu.memory_space<vmem>>, %arg10: memref<128x128xf32, #tpu.memory_space<vmem>>, %arg11: memref<10240x128xf32, #tpu.memory_space<vmem_shared>>, %arg12: memref<!tpu.dma_semaphore, #tpu.memory_space<semaphore_mem>>, %arg13: memref<!tpu.dma_semaphore, #tpu.memory_space<semaphore_mem>>) attributes {dimension_semantics = [#tpu.dimension_semantics<core_parallel>, #tpu.dimension_semantics<subcore_parallel>], iteration_bounds = array<i64: 2, 16>, scalar_prefetch = 0 : i64, scratch_operands = 7 : i64, tpu.core_type = #tpu.core_type<sc_vector_subcore>, window_params = [{transform_indices = #map}, {transform_indices = #map}, {transform_indices = #map}, {transform_indices = #map}, {transform_indices = #map1}]} {
    %mul3A = arith.constant 2 : i32
    %mul3A_0 = arith.muli %arg1, %mul3A : i32
    %add3A = arith.addi %mul3A_0, %arg0 : i32
    %mul3A_1 = arith.constant 640 : i32
    %mul3A_2 = arith.muli %arg1, %mul3A_1 : i32
    %mul3A_3 = arith.constant 640 : i32
    %mul3A_4 = arith.muli %arg1, %mul3A_3 : i32
    "tpu.region"() ({
      %run_scoped3A = tpu.sem_alloc : memref<!tpu.dma_semaphore, #tpu.memory_space<semaphore_mem>>
      %dma_start3A_40 = arith.constant 0 : i32
      %dma_start3A_41 = tpu.memref_slice %arg11[%mul3A_4, %dma_start3A_40] : memref<10240x128xf32, #tpu.memory_space<vmem_shared>> -> memref<640x128xf32, #tpu.memory_space<vmem_shared>>
      %dma_start3A_42 = arith.constant 0 : i32
      %dma_start3A_43 = tpu.memref_slice %arg5[%mul3A_2, %dma_start3A_42] : memref<10240x128xf32, #tpu.memory_space<hbm>> -> memref<640x128xf32, #tpu.memory_space<hbm>>
      tpu.enqueue_dma source(%dma_start3A_43 : memref<640x128xf32, #tpu.memory_space<hbm>>) target(%dma_start3A_41 : memref<640x128xf32, #tpu.memory_space<vmem_shared>>) target_semaphore(%run_scoped3A : memref<!tpu.dma_semaphore, #tpu.memory_space<semaphore_mem>>)
      %dma_wait3A = arith.constant 0 : i32
      %dma_wait3A_44 = tpu.memref_slice %arg11[%mul3A_4, %dma_wait3A] : memref<10240x128xf32, #tpu.memory_space<vmem_shared>> -> memref<640x128xf32, #tpu.memory_space<vmem_shared>>
      %dma_wait3A_45 = arith.constant 0 : i32
      %dma_wait3A_46 = tpu.memref_slice %arg5[%mul3A_2, %dma_wait3A_45] : memref<10240x128xf32, #tpu.memory_space<hbm>> -> memref<640x128xf32, #tpu.memory_space<hbm>>
      tpu.wait_dma2 semaphore(%run_scoped3A : memref<!tpu.dma_semaphore, #tpu.memory_space<semaphore_mem>>) src(%dma_wait3A_46 : memref<640x128xf32, #tpu.memory_space<hbm>>) dst(%dma_wait3A_44 : memref<640x128xf32, #tpu.memory_space<vmem_shared>>)
      tpu.yield
    }) : () -> ()
    %barrier3A = arith.constant 0 : index
    tpu.barrier barrier_id(%barrier3A)
    %mul3A_5 = arith.constant 80 : i32
    %mul3A_6 = arith.muli %add3A, %mul3A_5 : i32
    %add3A_7 = arith.constant 0 : i32
    %add3A_8 = arith.addi %mul3A_6, %add3A_7 : i32
    "tpu.region"() ({
      %run_scoped3A = tpu.sem_alloc : memref<!tpu.dma_semaphore, #tpu.memory_space<semaphore_mem>>
      %dma_start3A_40 = arith.constant 0 : i32
      %dma_start3A_41 = tpu.memref_slice %arg3[%add3A_8, %dma_start3A_40] : memref<2560x128xi32, #tpu.memory_space<hbm>> -> memref<40x128xi32, #tpu.memory_space<hbm>>
      %dma_start3A_42 = arith.constant 0 : i32
      %dma_start3A_43 = tpu.memref_slice %arg3[%add3A_8, %dma_start3A_42] : memref<2560x128xi32, #tpu.memory_space<hbm>> -> memref<40x128xi32, #tpu.memory_space<hbm>>
      tpu.enqueue_dma source(%dma_start3A_43 : memref<40x128xi32, #tpu.memory_space<hbm>>) target(%arg7 : memref<40x128xi32, #tpu.memory_space<vmem>>) target_semaphore(%run_scoped3A : memref<!tpu.dma_semaphore, #tpu.memory_space<semaphore_mem>>)
      %dma_wait3A = arith.constant 0 : i32
      %dma_wait3A_44 = tpu.memref_slice %arg3[%add3A_8, %dma_wait3A] : memref<2560x128xi32, #tpu.memory_space<hbm>> -> memref<40x128xi32, #tpu.memory_space<hbm>>
      %dma_wait3A_45 = arith.constant 0 : i32
      %dma_wait3A_46 = tpu.memref_slice %arg3[%add3A_8, %dma_wait3A_45] : memref<2560x128xi32, #tpu.memory_space<hbm>> -> memref<40x128xi32, #tpu.memory_space<hbm>>
      tpu.wait_dma2 semaphore(%run_scoped3A : memref<!tpu.dma_semaphore, #tpu.memory_space<semaphore_mem>>) src(%dma_wait3A_46 : memref<40x128xi32, #tpu.memory_space<hbm>>) dst(%arg7 : memref<40x128xi32, #tpu.memory_space<vmem>>)
      tpu.yield
    }) : () -> ()
    "tpu.region"() ({
      %run_scoped3A = tpu.sem_alloc : memref<!tpu.dma_semaphore, #tpu.memory_space<semaphore_mem>>
      %dma_start3A_40 = arith.constant 0 : i32
      %dma_start3A_41 = tpu.memref_slice %arg4[%add3A_8, %dma_start3A_40] : memref<2560x128xi32, #tpu.memory_space<hbm>> -> memref<40x128xi32, #tpu.memory_space<hbm>>
      %dma_start3A_42 = arith.constant 0 : i32
      %dma_start3A_43 = tpu.memref_slice %arg4[%add3A_8, %dma_start3A_42] : memref<2560x128xi32, #tpu.memory_space<hbm>> -> memref<40x128xi32, #tpu.memory_space<hbm>>
      tpu.enqueue_dma source(%dma_start3A_43 : memref<40x128xi32, #tpu.memory_space<hbm>>) target(%arg8 : memref<40x128xi32, #tpu.memory_space<vmem>>) target_semaphore(%run_scoped3A : memref<!tpu.dma_semaphore, #tpu.memory_space<semaphore_mem>>)
      %dma_wait3A = arith.constant 0 : i32
      %dma_wait3A_44 = tpu.memref_slice %arg4[%add3A_8, %dma_wait3A] : memref<2560x128xi32, #tpu.memory_space<hbm>> -> memref<40x128xi32, #tpu.memory_space<hbm>>
      %dma_wait3A_45 = arith.constant 0 : i32
      %dma_wait3A_46 = tpu.memref_slice %arg4[%add3A_8, %dma_wait3A_45] : memref<2560x128xi32, #tpu.memory_space<hbm>> -> memref<40x128xi32, #tpu.memory_space<hbm>>
      tpu.wait_dma2 semaphore(%run_scoped3A : memref<!tpu.dma_semaphore, #tpu.memory_space<semaphore_mem>>) src(%dma_wait3A_46 : memref<40x128xi32, #tpu.memory_space<hbm>>) dst(%arg8 : memref<40x128xi32, #tpu.memory_space<vmem>>)
      tpu.yield
    }) : () -> ()
    %dma_start3A = arith.constant 0 : i32
    %dma_start3A_9 = arith.constant 0 : i32
    %dma_start3A_10 = tpu.memref_slice %arg7[%dma_start3A, %dma_start3A_9] : memref<40x128xi32, #tpu.memory_space<vmem>> -> memref<1x128xi32, #tpu.memory_space<vmem>>
    %dma_start3A_11 = tpu.memref_squeeze %dma_start3A_10 : memref<1x128xi32, #tpu.memory_space<vmem>> -> memref<128xi32, #tpu.memory_space<vmem>>
    %dma_start3A_12 = arith.constant 0 : i32
    %dma_start3A_13 = arith.constant 0 : i32
    %dma_start3A_14 = tpu.memref_slice %arg2[%dma_start3A_12, %dma_start3A_13] : memref<10240x128xf32, #tpu.memory_space<hbm>> -> memref<10240x128xf32, #tpu.memory_space<hbm>>
    tpu.enqueue_indirect_dma source(%dma_start3A_14 : memref<10240x128xf32, #tpu.memory_space<hbm>>) target(%arg9 : memref<128x128xf32, #tpu.memory_space<vmem>>) offsets(%dma_start3A_11 : memref<128xi32, #tpu.memory_space<vmem>>) semaphore(%arg12 : memref<!tpu.dma_semaphore, #tpu.memory_space<semaphore_mem>>)
    %scan3A = arith.constant 0 : i32
    %scan3A_15 = arith.constant 20 : i32
    %scan3A_16 = arith.addi %scan3A, %scan3A_15 : i32
    %scan3A_17 = arith.constant 1 : i32
    scf.for %scan3A_40 = %scan3A to %scan3A_16 step %scan3A_17  : i32 {
      %mul3A_41 = arith.constant 2 : i32
      %mul3A_42 = arith.muli %mul3A_41, %scan3A_40 : i32
      %add3A_43 = arith.constant 1 : i32
      %add3A_44 = arith.addi %mul3A_42, %add3A_43 : i32
      %dma_start3A_45 = arith.constant 0 : i32
      %dma_start3A_46 = tpu.memref_slice %arg7[%add3A_44, %dma_start3A_45] : memref<40x128xi32, #tpu.memory_space<vmem>> -> memref<1x128xi32, #tpu.memory_space<vmem>>
      %dma_start3A_47 = tpu.memref_squeeze %dma_start3A_46 : memref<1x128xi32, #tpu.memory_space<vmem>> -> memref<128xi32, #tpu.memory_space<vmem>>
      %dma_start3A_48 = arith.constant 0 : i32
      %dma_start3A_49 = arith.constant 0 : i32
      %dma_start3A_50 = tpu.memref_slice %arg2[%dma_start3A_48, %dma_start3A_49] : memref<10240x128xf32, #tpu.memory_space<hbm>> -> memref<10240x128xf32, #tpu.memory_space<hbm>>
      tpu.enqueue_indirect_dma source(%dma_start3A_50 : memref<10240x128xf32, #tpu.memory_space<hbm>>) target(%arg10 : memref<128x128xf32, #tpu.memory_space<vmem>>) offsets(%dma_start3A_47 : memref<128xi32, #tpu.memory_space<vmem>>) semaphore(%arg13 : memref<!tpu.dma_semaphore, #tpu.memory_space<semaphore_mem>>)
      %dma_wait3A = arith.constant 0 : i32
      %dma_wait3A_51 = tpu.memref_slice %arg7[%mul3A_42, %dma_wait3A] : memref<40x128xi32, #tpu.memory_space<vmem>> -> memref<1x128xi32, #tpu.memory_space<vmem>>
      %dma_wait3A_52 = tpu.memref_squeeze %dma_wait3A_51 : memref<1x128xi32, #tpu.memory_space<vmem>> -> memref<128xi32, #tpu.memory_space<vmem>>
      %dma_wait3A_53 = arith.constant 0 : i32
      %dma_wait3A_54 = arith.constant 0 : i32
      %dma_wait3A_55 = tpu.memref_slice %arg2[%dma_wait3A_53, %dma_wait3A_54] : memref<10240x128xf32, #tpu.memory_space<hbm>> -> memref<10240x128xf32, #tpu.memory_space<hbm>>
      tpu.wait_indirect_dma semaphore(%arg12 : memref<!tpu.dma_semaphore, #tpu.memory_space<semaphore_mem>>) src(%dma_wait3A_55 : memref<10240x128xf32, #tpu.memory_space<hbm>>) dst(%arg9 : memref<128x128xf32, #tpu.memory_space<vmem>>)
      "tpu.region"() ({
        %run_scoped3A = tpu.sem_alloc : memref<!tpu.dma_semaphore, #tpu.memory_space<semaphore_mem>>
        %dma_start3A_70 = arith.constant 0 : i32
        %dma_start3A_71 = tpu.memref_slice %arg8[%mul3A_42, %dma_start3A_70] : memref<40x128xi32, #tpu.memory_space<vmem>> -> memref<1x128xi32, #tpu.memory_space<vmem>>
        %dma_start3A_72 = tpu.memref_squeeze %dma_start3A_71 : memref<1x128xi32, #tpu.memory_space<vmem>> -> memref<128xi32, #tpu.memory_space<vmem>>
        %dma_start3A_73 = arith.constant 0 : i32
        %dma_start3A_74 = arith.constant 0 : i32
        %dma_start3A_75 = tpu.memref_slice %arg11[%dma_start3A_73, %dma_start3A_74] : memref<10240x128xf32, #tpu.memory_space<vmem_shared>> -> memref<10240x128xf32, #tpu.memory_space<vmem_shared>>
        tpu.enqueue_indirect_dma source(%arg9 : memref<128x128xf32, #tpu.memory_space<vmem>>) target(%dma_start3A_75 : memref<10240x128xf32, #tpu.memory_space<vmem_shared>>) offsets(%dma_start3A_72 : memref<128xi32, #tpu.memory_space<vmem>>) semaphore(%run_scoped3A : memref<!tpu.dma_semaphore, #tpu.memory_space<semaphore_mem>>) {add = true}
        %dma_wait3A_76 = arith.constant 0 : i32
        %dma_wait3A_77 = tpu.memref_slice %arg8[%mul3A_42, %dma_wait3A_76] : memref<40x128xi32, #tpu.memory_space<vmem>> -> memref<1x128xi32, #tpu.memory_space<vmem>>
        %dma_wait3A_78 = tpu.memref_squeeze %dma_wait3A_77 : memref<1x128xi32, #tpu.memory_space<vmem>> -> memref<128xi32, #tpu.memory_space<vmem>>
        %dma_wait3A_79 = arith.constant 0 : i32
        %dma_wait3A_80 = arith.constant 0 : i32
        %dma_wait3A_81 = tpu.memref_slice %arg11[%dma_wait3A_79, %dma_wait3A_80] : memref<10240x128xf32, #tpu.memory_space<vmem_shared>> -> memref<10240x128xf32, #tpu.memory_space<vmem_shared>>
        tpu.wait_indirect_dma semaphore(%run_scoped3A : memref<!tpu.dma_semaphore, #tpu.memory_space<semaphore_mem>>) src(%arg9 : memref<128x128xf32, #tpu.memory_space<vmem>>) dst(%dma_wait3A_81 : memref<10240x128xf32, #tpu.memory_space<vmem_shared>>)
        tpu.yield
      }) : () -> ()
      %add3A_56 = arith.constant 2 : i32
      %add3A_57 = arith.addi %mul3A_42, %add3A_56 : i32
      %lt3A = arith.constant 40 : i32
      %lt3A_58 = arith.cmpi slt, %add3A_57, %lt3A : i32
      %convert_element_type3A = arith.extui %lt3A_58 : i1 to i32
      %cond3A = arith.constant 0 : i32
      %cond3A_59 = arith.cmpi ne, %convert_element_type3A, %cond3A : i32
      scf.if %cond3A_59 {
        %add3A_70 = arith.constant 2 : i32
        %add3A_71 = arith.addi %mul3A_42, %add3A_70 : i32
        %dma_start3A_72 = arith.constant 0 : i32
        %dma_start3A_73 = tpu.memref_slice %arg7[%add3A_71, %dma_start3A_72] : memref<40x128xi32, #tpu.memory_space<vmem>> -> memref<1x128xi32, #tpu.memory_space<vmem>>
        %dma_start3A_74 = tpu.memref_squeeze %dma_start3A_73 : memref<1x128xi32, #tpu.memory_space<vmem>> -> memref<128xi32, #tpu.memory_space<vmem>>
        %dma_start3A_75 = arith.constant 0 : i32
        %dma_start3A_76 = arith.constant 0 : i32
        %dma_start3A_77 = tpu.memref_slice %arg2[%dma_start3A_75, %dma_start3A_76] : memref<10240x128xf32, #tpu.memory_space<hbm>> -> memref<10240x128xf32, #tpu.memory_space<hbm>>
        tpu.enqueue_indirect_dma source(%dma_start3A_77 : memref<10240x128xf32, #tpu.memory_space<hbm>>) target(%arg9 : memref<128x128xf32, #tpu.memory_space<vmem>>) offsets(%dma_start3A_74 : memref<128xi32, #tpu.memory_space<vmem>>) semaphore(%arg12 : memref<!tpu.dma_semaphore, #tpu.memory_space<semaphore_mem>>)
      } else {
      }
      %add3A_60 = arith.constant 1 : i32
      %add3A_61 = arith.addi %mul3A_42, %add3A_60 : i32
      %dma_wait3A_62 = arith.constant 0 : i32
      %dma_wait3A_63 = tpu.memref_slice %arg7[%add3A_61, %dma_wait3A_62] : memref<40x128xi32, #tpu.memory_space<vmem>> -> memref<1x128xi32, #tpu.memory_space<vmem>>
      %dma_wait3A_64 = tpu.memref_squeeze %dma_wait3A_63 : memref<1x128xi32, #tpu.memory_space<vmem>> -> memref<128xi32, #tpu.memory_space<vmem>>
      %dma_wait3A_65 = arith.constant 0 : i32
      %dma_wait3A_66 = arith.constant 0 : i32
      %dma_wait3A_67 = tpu.memref_slice %arg2[%dma_wait3A_65, %dma_wait3A_66] : memref<10240x128xf32, #tpu.memory_space<hbm>> -> memref<10240x128xf32, #tpu.memory_space<hbm>>
      tpu.wait_indirect_dma semaphore(%arg13 : memref<!tpu.dma_semaphore, #tpu.memory_space<semaphore_mem>>) src(%dma_wait3A_67 : memref<10240x128xf32, #tpu.memory_space<hbm>>) dst(%arg10 : memref<128x128xf32, #tpu.memory_space<vmem>>)
      %add3A_68 = arith.constant 1 : i32
      %add3A_69 = arith.addi %mul3A_42, %add3A_68 : i32
      "tpu.region"() ({
        %run_scoped3A = tpu.sem_alloc : memref<!tpu.dma_semaphore, #tpu.memory_space<semaphore_mem>>
        %dma_start3A_70 = arith.constant 0 : i32
        %dma_start3A_71 = tpu.memref_slice %arg8[%add3A_69, %dma_start3A_70] : memref<40x128xi32, #tpu.memory_space<vmem>> -> memref<1x128xi32, #tpu.memory_space<vmem>>
        %dma_start3A_72 = tpu.memref_squeeze %dma_start3A_71 : memref<1x128xi32, #tpu.memory_space<vmem>> -> memref<128xi32, #tpu.memory_space<vmem>>
        %dma_start3A_73 = arith.constant 0 : i32
        %dma_start3A_74 = arith.constant 0 : i32
        %dma_start3A_75 = tpu.memref_slice %arg11[%dma_start3A_73, %dma_start3A_74] : memref<10240x128xf32, #tpu.memory_space<vmem_shared>> -> memref<10240x128xf32, #tpu.memory_space<vmem_shared>>
        tpu.enqueue_indirect_dma source(%arg10 : memref<128x128xf32, #tpu.memory_space<vmem>>) target(%dma_start3A_75 : memref<10240x128xf32, #tpu.memory_space<vmem_shared>>) offsets(%dma_start3A_72 : memref<128xi32, #tpu.memory_space<vmem>>) semaphore(%run_scoped3A : memref<!tpu.dma_semaphore, #tpu.memory_space<semaphore_mem>>) {add = true}
        %dma_wait3A_76 = arith.constant 0 : i32
        %dma_wait3A_77 = tpu.memref_slice %arg8[%add3A_69, %dma_wait3A_76] : memref<40x128xi32, #tpu.memory_space<vmem>> -> memref<1x128xi32, #tpu.memory_space<vmem>>
        %dma_wait3A_78 = tpu.memref_squeeze %dma_wait3A_77 : memref<1x128xi32, #tpu.memory_space<vmem>> -> memref<128xi32, #tpu.memory_space<vmem>>
        %dma_wait3A_79 = arith.constant 0 : i32
        %dma_wait3A_80 = arith.constant 0 : i32
        %dma_wait3A_81 = tpu.memref_slice %arg11[%dma_wait3A_79, %dma_wait3A_80] : memref<10240x128xf32, #tpu.memory_space<vmem_shared>> -> memref<10240x128xf32, #tpu.memory_space<vmem_shared>>
        tpu.wait_indirect_dma semaphore(%run_scoped3A : memref<!tpu.dma_semaphore, #tpu.memory_space<semaphore_mem>>) src(%arg10 : memref<128x128xf32, #tpu.memory_space<vmem>>) dst(%dma_wait3A_81 : memref<10240x128xf32, #tpu.memory_space<vmem_shared>>)
        tpu.yield
      }) : () -> ()
    }
    %scan3A_18 = arith.constant 20 : i32
    %mul3A_19 = arith.constant 80 : i32
    %mul3A_20 = arith.muli %add3A, %mul3A_19 : i32
    %add3A_21 = arith.constant 40 : i32
    %add3A_22 = arith.addi %mul3A_20, %add3A_21 : i32
    "tpu.region"() ({
      %run_scoped3A = tpu.sem_alloc : memref<!tpu.dma_semaphore, #tpu.memory_space<semaphore_mem>>
      %dma_start3A_40 = arith.constant 0 : i32
      %dma_start3A_41 = tpu.memref_slice %arg3[%add3A_22, %dma_start3A_40] : memref<2560x128xi32, #tpu.memory_space<hbm>> -> memref<40x128xi32, #tpu.memory_space<hbm>>
      %dma_start3A_42 = arith.constant 0 : i32
      %dma_start3A_43 = tpu.memref_slice %arg3[%add3A_22, %dma_start3A_42] : memref<2560x128xi32, #tpu.memory_space<hbm>> -> memref<40x128xi32, #tpu.memory_space<hbm>>
      tpu.enqueue_dma source(%dma_start3A_43 : memref<40x128xi32, #tpu.memory_space<hbm>>) target(%arg7 : memref<40x128xi32, #tpu.memory_space<vmem>>) target_semaphore(%run_scoped3A : memref<!tpu.dma_semaphore, #tpu.memory_space<semaphore_mem>>)
      %dma_wait3A = arith.constant 0 : i32
      %dma_wait3A_44 = tpu.memref_slice %arg3[%add3A_22, %dma_wait3A] : memref<2560x128xi32, #tpu.memory_space<hbm>> -> memref<40x128xi32, #tpu.memory_space<hbm>>
      %dma_wait3A_45 = arith.constant 0 : i32
      %dma_wait3A_46 = tpu.memref_slice %arg3[%add3A_22, %dma_wait3A_45] : memref<2560x128xi32, #tpu.memory_space<hbm>> -> memref<40x128xi32, #tpu.memory_space<hbm>>
      tpu.wait_dma2 semaphore(%run_scoped3A : memref<!tpu.dma_semaphore, #tpu.memory_space<semaphore_mem>>) src(%dma_wait3A_46 : memref<40x128xi32, #tpu.memory_space<hbm>>) dst(%arg7 : memref<40x128xi32, #tpu.memory_space<vmem>>)
      tpu.yield
    }) : () -> ()
    "tpu.region"() ({
      %run_scoped3A = tpu.sem_alloc : memref<!tpu.dma_semaphore, #tpu.memory_space<semaphore_mem>>
      %dma_start3A_40 = arith.constant 0 : i32
      %dma_start3A_41 = tpu.memref_slice %arg4[%add3A_22, %dma_start3A_40] : memref<2560x128xi32, #tpu.memory_space<hbm>> -> memref<40x128xi32, #tpu.memory_space<hbm>>
      %dma_start3A_42 = arith.constant 0 : i32
      %dma_start3A_43 = tpu.memref_slice %arg4[%add3A_22, %dma_start3A_42] : memref<2560x128xi32, #tpu.memory_space<hbm>> -> memref<40x128xi32, #tpu.memory_space<hbm>>
      tpu.enqueue_dma source(%dma_start3A_43 : memref<40x128xi32, #tpu.memory_space<hbm>>) target(%arg8 : memref<40x128xi32, #tpu.memory_space<vmem>>) target_semaphore(%run_scoped3A : memref<!tpu.dma_semaphore, #tpu.memory_space<semaphore_mem>>)
      %dma_wait3A = arith.constant 0 : i32
      %dma_wait3A_44 = tpu.memref_slice %arg4[%add3A_22, %dma_wait3A] : memref<2560x128xi32, #tpu.memory_space<hbm>> -> memref<40x128xi32, #tpu.memory_space<hbm>>
      %dma_wait3A_45 = arith.constant 0 : i32
      %dma_wait3A_46 = tpu.memref_slice %arg4[%add3A_22, %dma_wait3A_45] : memref<2560x128xi32, #tpu.memory_space<hbm>> -> memref<40x128xi32, #tpu.memory_space<hbm>>
      tpu.wait_dma2 semaphore(%run_scoped3A : memref<!tpu.dma_semaphore, #tpu.memory_space<semaphore_mem>>) src(%dma_wait3A_46 : memref<40x128xi32, #tpu.memory_space<hbm>>) dst(%arg8 : memref<40x128xi32, #tpu.memory_space<vmem>>)
      tpu.yield
    }) : () -> ()
    %dma_start3A_23 = arith.constant 0 : i32
    %dma_start3A_24 = arith.constant 0 : i32
    %dma_start3A_25 = tpu.memref_slice %arg7[%dma_start3A_23, %dma_start3A_24] : memref<40x128xi32, #tpu.memory_space<vmem>> -> memref<1x128xi32, #tpu.memory_space<vmem>>
    %dma_start3A_26 = tpu.memref_squeeze %dma_start3A_25 : memref<1x128xi32, #tpu.memory_space<vmem>> -> memref<128xi32, #tpu.memory_space<vmem>>
    %dma_start3A_27 = arith.constant 0 : i32
    %dma_start3A_28 = arith.constant 0 : i32
    %dma_start3A_29 = tpu.memref_slice %arg2[%dma_start3A_27, %dma_start3A_28] : memref<10240x128xf32, #tpu.memory_space<hbm>> -> memref<10240x128xf32, #tpu.memory_space<hbm>>
    tpu.enqueue_indirect_dma source(%dma_start3A_29 : memref<10240x128xf32, #tpu.memory_space<hbm>>) target(%arg9 : memref<128x128xf32, #tpu.memory_space<vmem>>) offsets(%dma_start3A_26 : memref<128xi32, #tpu.memory_space<vmem>>) semaphore(%arg12 : memref<!tpu.dma_semaphore, #tpu.memory_space<semaphore_mem>>)
    %scan3A_30 = arith.constant 0 : i32
    %scan3A_31 = arith.constant 20 : i32
    %scan3A_32 = arith.addi %scan3A_30, %scan3A_31 : i32
    %scan3A_33 = arith.constant 1 : i32
    scf.for %scan3A_40 = %scan3A_30 to %scan3A_32 step %scan3A_33  : i32 {
      %mul3A_41 = arith.constant 2 : i32
      %mul3A_42 = arith.muli %mul3A_41, %scan3A_40 : i32
      %add3A_43 = arith.constant 1 : i32
      %add3A_44 = arith.addi %mul3A_42, %add3A_43 : i32
      %dma_start3A_45 = arith.constant 0 : i32
      %dma_start3A_46 = tpu.memref_slice %arg7[%add3A_44, %dma_start3A_45] : memref<40x128xi32, #tpu.memory_space<vmem>> -> memref<1x128xi32, #tpu.memory_space<vmem>>
      %dma_start3A_47 = tpu.memref_squeeze %dma_start3A_46 : memref<1x128xi32, #tpu.memory_space<vmem>> -> memref<128xi32, #tpu.memory_space<vmem>>
      %dma_start3A_48 = arith.constant 0 : i32
      %dma_start3A_49 = arith.constant 0 : i32
      %dma_start3A_50 = tpu.memref_slice %arg2[%dma_start3A_48, %dma_start3A_49] : memref<10240x128xf32, #tpu.memory_space<hbm>> -> memref<10240x128xf32, #tpu.memory_space<hbm>>
      tpu.enqueue_indirect_dma source(%dma_start3A_50 : memref<10240x128xf32, #tpu.memory_space<hbm>>) target(%arg10 : memref<128x128xf32, #tpu.memory_space<vmem>>) offsets(%dma_start3A_47 : memref<128xi32, #tpu.memory_space<vmem>>) semaphore(%arg13 : memref<!tpu.dma_semaphore, #tpu.memory_space<semaphore_mem>>)
      %dma_wait3A = arith.constant 0 : i32
      %dma_wait3A_51 = tpu.memref_slice %arg7[%mul3A_42, %dma_wait3A] : memref<40x128xi32, #tpu.memory_space<vmem>> -> memref<1x128xi32, #tpu.memory_space<vmem>>
      %dma_wait3A_52 = tpu.memref_squeeze %dma_wait3A_51 : memref<1x128xi32, #tpu.memory_space<vmem>> -> memref<128xi32, #tpu.memory_space<vmem>>
      %dma_wait3A_53 = arith.constant 0 : i32
      %dma_wait3A_54 = arith.constant 0 : i32
      %dma_wait3A_55 = tpu.memref_slice %arg2[%dma_wait3A_53, %dma_wait3A_54] : memref<10240x128xf32, #tpu.memory_space<hbm>> -> memref<10240x128xf32, #tpu.memory_space<hbm>>
      tpu.wait_indirect_dma semaphore(%arg12 : memref<!tpu.dma_semaphore, #tpu.memory_space<semaphore_mem>>) src(%dma_wait3A_55 : memref<10240x128xf32, #tpu.memory_space<hbm>>) dst(%arg9 : memref<128x128xf32, #tpu.memory_space<vmem>>)
      "tpu.region"() ({
        %run_scoped3A = tpu.sem_alloc : memref<!tpu.dma_semaphore, #tpu.memory_space<semaphore_mem>>
        %dma_start3A_70 = arith.constant 0 : i32
        %dma_start3A_71 = tpu.memref_slice %arg8[%mul3A_42, %dma_start3A_70] : memref<40x128xi32, #tpu.memory_space<vmem>> -> memref<1x128xi32, #tpu.memory_space<vmem>>
        %dma_start3A_72 = tpu.memref_squeeze %dma_start3A_71 : memref<1x128xi32, #tpu.memory_space<vmem>> -> memref<128xi32, #tpu.memory_space<vmem>>
        %dma_start3A_73 = arith.constant 0 : i32
        %dma_start3A_74 = arith.constant 0 : i32
        %dma_start3A_75 = tpu.memref_slice %arg11[%dma_start3A_73, %dma_start3A_74] : memref<10240x128xf32, #tpu.memory_space<vmem_shared>> -> memref<10240x128xf32, #tpu.memory_space<vmem_shared>>
        tpu.enqueue_indirect_dma source(%arg9 : memref<128x128xf32, #tpu.memory_space<vmem>>) target(%dma_start3A_75 : memref<10240x128xf32, #tpu.memory_space<vmem_shared>>) offsets(%dma_start3A_72 : memref<128xi32, #tpu.memory_space<vmem>>) semaphore(%run_scoped3A : memref<!tpu.dma_semaphore, #tpu.memory_space<semaphore_mem>>) {add = true}
        %dma_wait3A_76 = arith.constant 0 : i32
        %dma_wait3A_77 = tpu.memref_slice %arg8[%mul3A_42, %dma_wait3A_76] : memref<40x128xi32, #tpu.memory_space<vmem>> -> memref<1x128xi32, #tpu.memory_space<vmem>>
        %dma_wait3A_78 = tpu.memref_squeeze %dma_wait3A_77 : memref<1x128xi32, #tpu.memory_space<vmem>> -> memref<128xi32, #tpu.memory_space<vmem>>
        %dma_wait3A_79 = arith.constant 0 : i32
        %dma_wait3A_80 = arith.constant 0 : i32
        %dma_wait3A_81 = tpu.memref_slice %arg11[%dma_wait3A_79, %dma_wait3A_80] : memref<10240x128xf32, #tpu.memory_space<vmem_shared>> -> memref<10240x128xf32, #tpu.memory_space<vmem_shared>>
        tpu.wait_indirect_dma semaphore(%run_scoped3A : memref<!tpu.dma_semaphore, #tpu.memory_space<semaphore_mem>>) src(%arg9 : memref<128x128xf32, #tpu.memory_space<vmem>>) dst(%dma_wait3A_81 : memref<10240x128xf32, #tpu.memory_space<vmem_shared>>)
        tpu.yield
      }) : () -> ()
      %add3A_56 = arith.constant 2 : i32
      %add3A_57 = arith.addi %mul3A_42, %add3A_56 : i32
      %lt3A = arith.constant 40 : i32
      %lt3A_58 = arith.cmpi slt, %add3A_57, %lt3A : i32
      %convert_element_type3A = arith.extui %lt3A_58 : i1 to i32
      %cond3A = arith.constant 0 : i32
      %cond3A_59 = arith.cmpi ne, %convert_element_type3A, %cond3A : i32
      scf.if %cond3A_59 {
        %add3A_70 = arith.constant 2 : i32
        %add3A_71 = arith.addi %mul3A_42, %add3A_70 : i32
        %dma_start3A_72 = arith.constant 0 : i32
        %dma_start3A_73 = tpu.memref_slice %arg7[%add3A_71, %dma_start3A_72] : memref<40x128xi32, #tpu.memory_space<vmem>> -> memref<1x128xi32, #tpu.memory_space<vmem>>
        %dma_start3A_74 = tpu.memref_squeeze %dma_start3A_73 : memref<1x128xi32, #tpu.memory_space<vmem>> -> memref<128xi32, #tpu.memory_space<vmem>>
        %dma_start3A_75 = arith.constant 0 : i32
        %dma_start3A_76 = arith.constant 0 : i32
        %dma_start3A_77 = tpu.memref_slice %arg2[%dma_start3A_75, %dma_start3A_76] : memref<10240x128xf32, #tpu.memory_space<hbm>> -> memref<10240x128xf32, #tpu.memory_space<hbm>>
        tpu.enqueue_indirect_dma source(%dma_start3A_77 : memref<10240x128xf32, #tpu.memory_space<hbm>>) target(%arg9 : memref<128x128xf32, #tpu.memory_space<vmem>>) offsets(%dma_start3A_74 : memref<128xi32, #tpu.memory_space<vmem>>) semaphore(%arg12 : memref<!tpu.dma_semaphore, #tpu.memory_space<semaphore_mem>>)
      } else {
      }
      %add3A_60 = arith.constant 1 : i32
      %add3A_61 = arith.addi %mul3A_42, %add3A_60 : i32
      %dma_wait3A_62 = arith.constant 0 : i32
      %dma_wait3A_63 = tpu.memref_slice %arg7[%add3A_61, %dma_wait3A_62] : memref<40x128xi32, #tpu.memory_space<vmem>> -> memref<1x128xi32, #tpu.memory_space<vmem>>
      %dma_wait3A_64 = tpu.memref_squeeze %dma_wait3A_63 : memref<1x128xi32, #tpu.memory_space<vmem>> -> memref<128xi32, #tpu.memory_space<vmem>>
      %dma_wait3A_65 = arith.constant 0 : i32
      %dma_wait3A_66 = arith.constant 0 : i32
      %dma_wait3A_67 = tpu.memref_slice %arg2[%dma_wait3A_65, %dma_wait3A_66] : memref<10240x128xf32, #tpu.memory_space<hbm>> -> memref<10240x128xf32, #tpu.memory_space<hbm>>
      tpu.wait_indirect_dma semaphore(%arg13 : memref<!tpu.dma_semaphore, #tpu.memory_space<semaphore_mem>>) src(%dma_wait3A_67 : memref<10240x128xf32, #tpu.memory_space<hbm>>) dst(%arg10 : memref<128x128xf32, #tpu.memory_space<vmem>>)
      %add3A_68 = arith.constant 1 : i32
      %add3A_69 = arith.addi %mul3A_42, %add3A_68 : i32
      "tpu.region"() ({
        %run_scoped3A = tpu.sem_alloc : memref<!tpu.dma_semaphore, #tpu.memory_space<semaphore_mem>>
        %dma_start3A_70 = arith.constant 0 : i32
        %dma_start3A_71 = tpu.memref_slice %arg8[%add3A_69, %dma_start3A_70] : memref<40x128xi32, #tpu.memory_space<vmem>> -> memref<1x128xi32, #tpu.memory_space<vmem>>
        %dma_start3A_72 = tpu.memref_squeeze %dma_start3A_71 : memref<1x128xi32, #tpu.memory_space<vmem>> -> memref<128xi32, #tpu.memory_space<vmem>>
        %dma_start3A_73 = arith.constant 0 : i32
        %dma_start3A_74 = arith.constant 0 : i32
        %dma_start3A_75 = tpu.memref_slice %arg11[%dma_start3A_73, %dma_start3A_74] : memref<10240x128xf32, #tpu.memory_space<vmem_shared>> -> memref<10240x128xf32, #tpu.memory_space<vmem_shared>>
        tpu.enqueue_indirect_dma source(%arg10 : memref<128x128xf32, #tpu.memory_space<vmem>>) target(%dma_start3A_75 : memref<10240x128xf32, #tpu.memory_space<vmem_shared>>) offsets(%dma_start3A_72 : memref<128xi32, #tpu.memory_space<vmem>>) semaphore(%run_scoped3A : memref<!tpu.dma_semaphore, #tpu.memory_space<semaphore_mem>>) {add = true}
        %dma_wait3A_76 = arith.constant 0 : i32
        %dma_wait3A_77 = tpu.memref_slice %arg8[%add3A_69, %dma_wait3A_76] : memref<40x128xi32, #tpu.memory_space<vmem>> -> memref<1x128xi32, #tpu.memory_space<vmem>>
        %dma_wait3A_78 = tpu.memref_squeeze %dma_wait3A_77 : memref<1x128xi32, #tpu.memory_space<vmem>> -> memref<128xi32, #tpu.memory_space<vmem>>
        %dma_wait3A_79 = arith.constant 0 : i32
        %dma_wait3A_80 = arith.constant 0 : i32
        %dma_wait3A_81 = tpu.memref_slice %arg11[%dma_wait3A_79, %dma_wait3A_80] : memref<10240x128xf32, #tpu.memory_space<vmem_shared>> -> memref<10240x128xf32, #tpu.memory_space<vmem_shared>>
        tpu.wait_indirect_dma semaphore(%run_scoped3A : memref<!tpu.dma_semaphore, #tpu.memory_space<semaphore_mem>>) src(%arg10 : memref<128x128xf32, #tpu.memory_space<vmem>>) dst(%dma_wait3A_81 : memref<10240x128xf32, #tpu.memory_space<vmem_shared>>)
        tpu.yield
      }) : () -> ()
    }
    %scan3A_34 = arith.constant 20 : i32
    %barrier3A_35 = arith.constant 0 : index
    tpu.barrier barrier_id(%barrier3A_35)
    %mul3A_36 = arith.constant 640 : i32
    %mul3A_37 = arith.muli %arg1, %mul3A_36 : i32
    %mul3A_38 = arith.constant 640 : i32
    %mul3A_39 = arith.muli %arg1, %mul3A_38 : i32
    "tpu.region"() ({
      %run_scoped3A = tpu.sem_alloc : memref<!tpu.dma_semaphore, #tpu.memory_space<semaphore_mem>>
      %dma_start3A_40 = arith.constant 0 : i32
      %dma_start3A_41 = tpu.memref_slice %arg6[%arg0, %mul3A_39, %dma_start3A_40] : memref<2x10240x128xf32, #tpu.memory_space<hbm>> -> memref<1x640x128xf32, #tpu.memory_space<hbm>>
      %dma_start3A_42 = tpu.memref_squeeze %dma_start3A_41 : memref<1x640x128xf32, #tpu.memory_space<hbm>> -> memref<640x128xf32, #tpu.memory_space<hbm>>
      %dma_start3A_43 = arith.constant 0 : i32
      %dma_start3A_44 = tpu.memref_slice %arg11[%mul3A_37, %dma_start3A_43] : memref<10240x128xf32, #tpu.memory_space<vmem_shared>> -> memref<640x128xf32, #tpu.memory_space<vmem_shared>>
      tpu.enqueue_dma source(%dma_start3A_44 : memref<640x128xf32, #tpu.memory_space<vmem_shared>>) target(%dma_start3A_42 : memref<640x128xf32, #tpu.memory_space<hbm>>) target_semaphore(%run_scoped3A : memref<!tpu.dma_semaphore, #tpu.memory_space<semaphore_mem>>)
      %dma_wait3A = arith.constant 0 : i32
      %dma_wait3A_45 = tpu.memref_slice %arg6[%arg0, %mul3A_39, %dma_wait3A] : memref<2x10240x128xf32, #tpu.memory_space<hbm>> -> memref<1x640x128xf32, #tpu.memory_space<hbm>>
      %dma_wait3A_46 = tpu.memref_squeeze %dma_wait3A_45 : memref<1x640x128xf32, #tpu.memory_space<hbm>> -> memref<640x128xf32, #tpu.memory_space<hbm>>
      %dma_wait3A_47 = arith.constant 0 : i32
      %dma_wait3A_48 = tpu.memref_slice %arg11[%mul3A_37, %dma_wait3A_47] : memref<10240x128xf32, #tpu.memory_space<vmem_shared>> -> memref<640x128xf32, #tpu.memory_space<vmem_shared>>
      tpu.wait_dma2 semaphore(%run_scoped3A : memref<!tpu.dma_semaphore, #tpu.memory_space<semaphore_mem>>) src(%dma_wait3A_48 : memref<640x128xf32, #tpu.memory_space<vmem_shared>>) dst(%dma_wait3A_46 : memref<640x128xf32, #tpu.memory_space<hbm>>)
      tpu.yield
    }) : () -> ()
    return
  }
}

#map = affine_map<(d0, d1) -> (0)>
#map1 = affine_map<(d0, d1) -> (0, 0)>
module attributes {stable_mosaic.version = 14 : i64} {
  func.func @_seg_sum_scalar(%arg0: i32, %arg1: i32, %arg2: memref<10240xf32, #tpu.memory_space<hbm>>, %arg3: memref<2560x128xi32, #tpu.memory_space<hbm>>, %arg4: memref<2560x128xi32, #tpu.memory_space<hbm>>, %arg5: memref<10240xf32, #tpu.memory_space<hbm>>, %arg6: memref<2x10240xf32, #tpu.memory_space<hbm>>, %arg7: memref<80x128xi32, #tpu.memory_space<vmem>>, %arg8: memref<80x128xi32, #tpu.memory_space<vmem>>, %arg9: memref<128xf32, #tpu.memory_space<vmem>>, %arg10: memref<128xf32, #tpu.memory_space<vmem>>, %arg11: memref<10240xf32, #tpu.memory_space<vmem_shared>>, %arg12: memref<!tpu.dma_semaphore, #tpu.memory_space<semaphore_mem>>, %arg13: memref<!tpu.dma_semaphore, #tpu.memory_space<semaphore_mem>>) attributes {dimension_semantics = [#tpu.dimension_semantics<core_parallel>, #tpu.dimension_semantics<subcore_parallel>], iteration_bounds = array<i64: 2, 16>, scalar_prefetch = 0 : i64, scratch_operands = 7 : i64, tpu.core_type = #tpu.core_type<sc_vector_subcore>, window_params = [{transform_indices = #map}, {transform_indices = #map1}, {transform_indices = #map1}, {transform_indices = #map}, {transform_indices = #map1}]} {
    %mul3A = arith.constant 2 : i32
    %mul3A_0 = arith.muli %arg1, %mul3A : i32
    %add3A = arith.addi %mul3A_0, %arg0 : i32
    %mul3A_1 = arith.constant 640 : i32
    %mul3A_2 = arith.muli %arg1, %mul3A_1 : i32
    %mul3A_3 = arith.constant 640 : i32
    %mul3A_4 = arith.muli %arg1, %mul3A_3 : i32
    "tpu.region"() ({
      %run_scoped3A = tpu.sem_alloc : memref<!tpu.dma_semaphore, #tpu.memory_space<semaphore_mem>>
      %dma_start3A_23 = tpu.memref_slice %arg11[%mul3A_4] : memref<10240xf32, #tpu.memory_space<vmem_shared>> -> memref<640xf32, #tpu.memory_space<vmem_shared>>
      %dma_start3A_24 = tpu.memref_slice %arg5[%mul3A_2] : memref<10240xf32, #tpu.memory_space<hbm>> -> memref<640xf32, #tpu.memory_space<hbm>>
      tpu.enqueue_dma source(%dma_start3A_24 : memref<640xf32, #tpu.memory_space<hbm>>) target(%dma_start3A_23 : memref<640xf32, #tpu.memory_space<vmem_shared>>) target_semaphore(%run_scoped3A : memref<!tpu.dma_semaphore, #tpu.memory_space<semaphore_mem>>)
      %dma_wait3A = tpu.memref_slice %arg11[%mul3A_4] : memref<10240xf32, #tpu.memory_space<vmem_shared>> -> memref<640xf32, #tpu.memory_space<vmem_shared>>
      %dma_wait3A_25 = tpu.memref_slice %arg5[%mul3A_2] : memref<10240xf32, #tpu.memory_space<hbm>> -> memref<640xf32, #tpu.memory_space<hbm>>
      tpu.wait_dma2 semaphore(%run_scoped3A : memref<!tpu.dma_semaphore, #tpu.memory_space<semaphore_mem>>) src(%dma_wait3A_25 : memref<640xf32, #tpu.memory_space<hbm>>) dst(%dma_wait3A : memref<640xf32, #tpu.memory_space<vmem_shared>>)
      tpu.yield
    }) : () -> ()
    %mul3A_5 = arith.constant 80 : i32
    %mul3A_6 = arith.muli %add3A, %mul3A_5 : i32
    "tpu.region"() ({
      %run_scoped3A = tpu.sem_alloc : memref<!tpu.dma_semaphore, #tpu.memory_space<semaphore_mem>>
      %dma_start3A_23 = arith.constant 0 : i32
      %dma_start3A_24 = tpu.memref_slice %arg3[%mul3A_6, %dma_start3A_23] : memref<2560x128xi32, #tpu.memory_space<hbm>> -> memref<80x128xi32, #tpu.memory_space<hbm>>
      %dma_start3A_25 = arith.constant 0 : i32
      %dma_start3A_26 = tpu.memref_slice %arg3[%mul3A_6, %dma_start3A_25] : memref<2560x128xi32, #tpu.memory_space<hbm>> -> memref<80x128xi32, #tpu.memory_space<hbm>>
      tpu.enqueue_dma source(%dma_start3A_26 : memref<80x128xi32, #tpu.memory_space<hbm>>) target(%arg7 : memref<80x128xi32, #tpu.memory_space<vmem>>) target_semaphore(%run_scoped3A : memref<!tpu.dma_semaphore, #tpu.memory_space<semaphore_mem>>)
      %dma_wait3A = arith.constant 0 : i32
      %dma_wait3A_27 = tpu.memref_slice %arg3[%mul3A_6, %dma_wait3A] : memref<2560x128xi32, #tpu.memory_space<hbm>> -> memref<80x128xi32, #tpu.memory_space<hbm>>
      %dma_wait3A_28 = arith.constant 0 : i32
      %dma_wait3A_29 = tpu.memref_slice %arg3[%mul3A_6, %dma_wait3A_28] : memref<2560x128xi32, #tpu.memory_space<hbm>> -> memref<80x128xi32, #tpu.memory_space<hbm>>
      tpu.wait_dma2 semaphore(%run_scoped3A : memref<!tpu.dma_semaphore, #tpu.memory_space<semaphore_mem>>) src(%dma_wait3A_29 : memref<80x128xi32, #tpu.memory_space<hbm>>) dst(%arg7 : memref<80x128xi32, #tpu.memory_space<vmem>>)
      tpu.yield
    }) : () -> ()
    %mul3A_7 = arith.constant 80 : i32
    %mul3A_8 = arith.muli %add3A, %mul3A_7 : i32
    "tpu.region"() ({
      %run_scoped3A = tpu.sem_alloc : memref<!tpu.dma_semaphore, #tpu.memory_space<semaphore_mem>>
      %dma_start3A_23 = arith.constant 0 : i32
      %dma_start3A_24 = tpu.memref_slice %arg4[%mul3A_8, %dma_start3A_23] : memref<2560x128xi32, #tpu.memory_space<hbm>> -> memref<80x128xi32, #tpu.memory_space<hbm>>
      %dma_start3A_25 = arith.constant 0 : i32
      %dma_start3A_26 = tpu.memref_slice %arg4[%mul3A_8, %dma_start3A_25] : memref<2560x128xi32, #tpu.memory_space<hbm>> -> memref<80x128xi32, #tpu.memory_space<hbm>>
      tpu.enqueue_dma source(%dma_start3A_26 : memref<80x128xi32, #tpu.memory_space<hbm>>) target(%arg8 : memref<80x128xi32, #tpu.memory_space<vmem>>) target_semaphore(%run_scoped3A : memref<!tpu.dma_semaphore, #tpu.memory_space<semaphore_mem>>)
      %dma_wait3A = arith.constant 0 : i32
      %dma_wait3A_27 = tpu.memref_slice %arg4[%mul3A_8, %dma_wait3A] : memref<2560x128xi32, #tpu.memory_space<hbm>> -> memref<80x128xi32, #tpu.memory_space<hbm>>
      %dma_wait3A_28 = arith.constant 0 : i32
      %dma_wait3A_29 = tpu.memref_slice %arg4[%mul3A_8, %dma_wait3A_28] : memref<2560x128xi32, #tpu.memory_space<hbm>> -> memref<80x128xi32, #tpu.memory_space<hbm>>
      tpu.wait_dma2 semaphore(%run_scoped3A : memref<!tpu.dma_semaphore, #tpu.memory_space<semaphore_mem>>) src(%dma_wait3A_29 : memref<80x128xi32, #tpu.memory_space<hbm>>) dst(%arg8 : memref<80x128xi32, #tpu.memory_space<vmem>>)
      tpu.yield
    }) : () -> ()
    %barrier3A = arith.constant 0 : index
    tpu.barrier barrier_id(%barrier3A)
    %dma_start3A = arith.constant 0 : i32
    %dma_start3A_9 = arith.constant 0 : i32
    %dma_start3A_10 = tpu.memref_slice %arg7[%dma_start3A, %dma_start3A_9] : memref<80x128xi32, #tpu.memory_space<vmem>> -> memref<1x128xi32, #tpu.memory_space<vmem>>
    %dma_start3A_11 = tpu.memref_squeeze %dma_start3A_10 : memref<1x128xi32, #tpu.memory_space<vmem>> -> memref<128xi32, #tpu.memory_space<vmem>>
    %dma_start3A_12 = arith.constant 0 : i32
    %dma_start3A_13 = tpu.memref_slice %arg2[%dma_start3A_12] : memref<10240xf32, #tpu.memory_space<hbm>> -> memref<10240xf32, #tpu.memory_space<hbm>>
    tpu.enqueue_indirect_dma source(%dma_start3A_13 : memref<10240xf32, #tpu.memory_space<hbm>>) target(%arg9 : memref<128xf32, #tpu.memory_space<vmem>>) offsets(%dma_start3A_11 : memref<128xi32, #tpu.memory_space<vmem>>) semaphore(%arg12 : memref<!tpu.dma_semaphore, #tpu.memory_space<semaphore_mem>>)
    %scan3A = arith.constant 0 : i32
    %scan3A_14 = arith.constant 40 : i32
    %scan3A_15 = arith.addi %scan3A, %scan3A_14 : i32
    %scan3A_16 = arith.constant 1 : i32
    scf.for %scan3A_23 = %scan3A to %scan3A_15 step %scan3A_16  : i32 {
      %mul3A_24 = arith.constant 2 : i32
      %mul3A_25 = arith.muli %mul3A_24, %scan3A_23 : i32
      %add3A_26 = arith.constant 1 : i32
      %add3A_27 = arith.addi %mul3A_25, %add3A_26 : i32
      %lt3A = arith.constant 80 : i32
      %lt3A_28 = arith.cmpi slt, %add3A_27, %lt3A : i32
      %convert_element_type3A = arith.extui %lt3A_28 : i1 to i32
      %cond3A = arith.constant 0 : i32
      %cond3A_29 = arith.cmpi ne, %convert_element_type3A, %cond3A : i32
      scf.if %cond3A_29 {
        %add3A_48 = arith.constant 1 : i32
        %add3A_49 = arith.addi %mul3A_25, %add3A_48 : i32
        %dma_start3A_50 = arith.constant 0 : i32
        %dma_start3A_51 = tpu.memref_slice %arg7[%add3A_49, %dma_start3A_50] : memref<80x128xi32, #tpu.memory_space<vmem>> -> memref<1x128xi32, #tpu.memory_space<vmem>>
        %dma_start3A_52 = tpu.memref_squeeze %dma_start3A_51 : memref<1x128xi32, #tpu.memory_space<vmem>> -> memref<128xi32, #tpu.memory_space<vmem>>
        %dma_start3A_53 = arith.constant 0 : i32
        %dma_start3A_54 = tpu.memref_slice %arg2[%dma_start3A_53] : memref<10240xf32, #tpu.memory_space<hbm>> -> memref<10240xf32, #tpu.memory_space<hbm>>
        tpu.enqueue_indirect_dma source(%dma_start3A_54 : memref<10240xf32, #tpu.memory_space<hbm>>) target(%arg10 : memref<128xf32, #tpu.memory_space<vmem>>) offsets(%dma_start3A_52 : memref<128xi32, #tpu.memory_space<vmem>>) semaphore(%arg13 : memref<!tpu.dma_semaphore, #tpu.memory_space<semaphore_mem>>)
      } else {
      }
      %dma_wait3A = arith.constant 0 : i32
      %dma_wait3A_30 = tpu.memref_slice %arg7[%mul3A_25, %dma_wait3A] : memref<80x128xi32, #tpu.memory_space<vmem>> -> memref<1x128xi32, #tpu.memory_space<vmem>>
      %dma_wait3A_31 = tpu.memref_squeeze %dma_wait3A_30 : memref<1x128xi32, #tpu.memory_space<vmem>> -> memref<128xi32, #tpu.memory_space<vmem>>
      %dma_wait3A_32 = arith.constant 0 : i32
      %dma_wait3A_33 = tpu.memref_slice %arg2[%dma_wait3A_32] : memref<10240xf32, #tpu.memory_space<hbm>> -> memref<10240xf32, #tpu.memory_space<hbm>>
      tpu.wait_indirect_dma semaphore(%arg12 : memref<!tpu.dma_semaphore, #tpu.memory_space<semaphore_mem>>) src(%dma_wait3A_33 : memref<10240xf32, #tpu.memory_space<hbm>>) dst(%arg9 : memref<128xf32, #tpu.memory_space<vmem>>)
      "tpu.region"() ({
        %run_scoped3A = tpu.sem_alloc : memref<!tpu.dma_semaphore, #tpu.memory_space<semaphore_mem>>
        %dma_start3A_48 = arith.constant 0 : i32
        %dma_start3A_49 = tpu.memref_slice %arg8[%mul3A_25, %dma_start3A_48] : memref<80x128xi32, #tpu.memory_space<vmem>> -> memref<1x128xi32, #tpu.memory_space<vmem>>
        %dma_start3A_50 = tpu.memref_squeeze %dma_start3A_49 : memref<1x128xi32, #tpu.memory_space<vmem>> -> memref<128xi32, #tpu.memory_space<vmem>>
        %dma_start3A_51 = arith.constant 0 : i32
        %dma_start3A_52 = tpu.memref_slice %arg11[%dma_start3A_51] : memref<10240xf32, #tpu.memory_space<vmem_shared>> -> memref<10240xf32, #tpu.memory_space<vmem_shared>>
        tpu.enqueue_indirect_dma source(%arg9 : memref<128xf32, #tpu.memory_space<vmem>>) target(%dma_start3A_52 : memref<10240xf32, #tpu.memory_space<vmem_shared>>) offsets(%dma_start3A_50 : memref<128xi32, #tpu.memory_space<vmem>>) semaphore(%run_scoped3A : memref<!tpu.dma_semaphore, #tpu.memory_space<semaphore_mem>>) {add = true}
        %dma_wait3A_53 = arith.constant 0 : i32
        %dma_wait3A_54 = tpu.memref_slice %arg8[%mul3A_25, %dma_wait3A_53] : memref<80x128xi32, #tpu.memory_space<vmem>> -> memref<1x128xi32, #tpu.memory_space<vmem>>
        %dma_wait3A_55 = tpu.memref_squeeze %dma_wait3A_54 : memref<1x128xi32, #tpu.memory_space<vmem>> -> memref<128xi32, #tpu.memory_space<vmem>>
        %dma_wait3A_56 = arith.constant 0 : i32
        %dma_wait3A_57 = tpu.memref_slice %arg11[%dma_wait3A_56] : memref<10240xf32, #tpu.memory_space<vmem_shared>> -> memref<10240xf32, #tpu.memory_space<vmem_shared>>
        tpu.wait_indirect_dma semaphore(%run_scoped3A : memref<!tpu.dma_semaphore, #tpu.memory_space<semaphore_mem>>) src(%arg9 : memref<128xf32, #tpu.memory_space<vmem>>) dst(%dma_wait3A_57 : memref<10240xf32, #tpu.memory_space<vmem_shared>>)
        tpu.yield
      }) : () -> ()
      %add3A_34 = arith.constant 2 : i32
      %add3A_35 = arith.addi %mul3A_25, %add3A_34 : i32
      %lt3A_36 = arith.constant 80 : i32
      %lt3A_37 = arith.cmpi slt, %add3A_35, %lt3A_36 : i32
      %convert_element_type3A_38 = arith.extui %lt3A_37 : i1 to i32
      %cond3A_39 = arith.constant 0 : i32
      %cond3A_40 = arith.cmpi ne, %convert_element_type3A_38, %cond3A_39 : i32
      scf.if %cond3A_40 {
        %add3A_48 = arith.constant 2 : i32
        %add3A_49 = arith.addi %mul3A_25, %add3A_48 : i32
        %dma_start3A_50 = arith.constant 0 : i32
        %dma_start3A_51 = tpu.memref_slice %arg7[%add3A_49, %dma_start3A_50] : memref<80x128xi32, #tpu.memory_space<vmem>> -> memref<1x128xi32, #tpu.memory_space<vmem>>
        %dma_start3A_52 = tpu.memref_squeeze %dma_start3A_51 : memref<1x128xi32, #tpu.memory_space<vmem>> -> memref<128xi32, #tpu.memory_space<vmem>>
        %dma_start3A_53 = arith.constant 0 : i32
        %dma_start3A_54 = tpu.memref_slice %arg2[%dma_start3A_53] : memref<10240xf32, #tpu.memory_space<hbm>> -> memref<10240xf32, #tpu.memory_space<hbm>>
        tpu.enqueue_indirect_dma source(%dma_start3A_54 : memref<10240xf32, #tpu.memory_space<hbm>>) target(%arg9 : memref<128xf32, #tpu.memory_space<vmem>>) offsets(%dma_start3A_52 : memref<128xi32, #tpu.memory_space<vmem>>) semaphore(%arg12 : memref<!tpu.dma_semaphore, #tpu.memory_space<semaphore_mem>>)
      } else {
      }
      %add3A_41 = arith.constant 1 : i32
      %add3A_42 = arith.addi %mul3A_25, %add3A_41 : i32
      %lt3A_43 = arith.constant 80 : i32
      %lt3A_44 = arith.cmpi slt, %add3A_42, %lt3A_43 : i32
      %convert_element_type3A_45 = arith.extui %lt3A_44 : i1 to i32
      %cond3A_46 = arith.constant 0 : i32
      %cond3A_47 = arith.cmpi ne, %convert_element_type3A_45, %cond3A_46 : i32
      scf.if %cond3A_47 {
        %add3A_48 = arith.constant 1 : i32
        %add3A_49 = arith.addi %mul3A_25, %add3A_48 : i32
        %dma_wait3A_50 = arith.constant 0 : i32
        %dma_wait3A_51 = tpu.memref_slice %arg7[%add3A_49, %dma_wait3A_50] : memref<80x128xi32, #tpu.memory_space<vmem>> -> memref<1x128xi32, #tpu.memory_space<vmem>>
        %dma_wait3A_52 = tpu.memref_squeeze %dma_wait3A_51 : memref<1x128xi32, #tpu.memory_space<vmem>> -> memref<128xi32, #tpu.memory_space<vmem>>
        %dma_wait3A_53 = arith.constant 0 : i32
        %dma_wait3A_54 = tpu.memref_slice %arg2[%dma_wait3A_53] : memref<10240xf32, #tpu.memory_space<hbm>> -> memref<10240xf32, #tpu.memory_space<hbm>>
        tpu.wait_indirect_dma semaphore(%arg13 : memref<!tpu.dma_semaphore, #tpu.memory_space<semaphore_mem>>) src(%dma_wait3A_54 : memref<10240xf32, #tpu.memory_space<hbm>>) dst(%arg10 : memref<128xf32, #tpu.memory_space<vmem>>)
        %add3A_55 = arith.constant 1 : i32
        %add3A_56 = arith.addi %mul3A_25, %add3A_55 : i32
        "tpu.region"() ({
          %run_scoped3A = tpu.sem_alloc : memref<!tpu.dma_semaphore, #tpu.memory_space<semaphore_mem>>
          %dma_start3A_57 = arith.constant 0 : i32
          %dma_start3A_58 = tpu.memref_slice %arg8[%add3A_56, %dma_start3A_57] : memref<80x128xi32, #tpu.memory_space<vmem>> -> memref<1x128xi32, #tpu.memory_space<vmem>>
          %dma_start3A_59 = tpu.memref_squeeze %dma_start3A_58 : memref<1x128xi32, #tpu.memory_space<vmem>> -> memref<128xi32, #tpu.memory_space<vmem>>
          %dma_start3A_60 = arith.constant 0 : i32
          %dma_start3A_61 = tpu.memref_slice %arg11[%dma_start3A_60] : memref<10240xf32, #tpu.memory_space<vmem_shared>> -> memref<10240xf32, #tpu.memory_space<vmem_shared>>
          tpu.enqueue_indirect_dma source(%arg10 : memref<128xf32, #tpu.memory_space<vmem>>) target(%dma_start3A_61 : memref<10240xf32, #tpu.memory_space<vmem_shared>>) offsets(%dma_start3A_59 : memref<128xi32, #tpu.memory_space<vmem>>) semaphore(%run_scoped3A : memref<!tpu.dma_semaphore, #tpu.memory_space<semaphore_mem>>) {add = true}
          %dma_wait3A_62 = arith.constant 0 : i32
          %dma_wait3A_63 = tpu.memref_slice %arg8[%add3A_56, %dma_wait3A_62] : memref<80x128xi32, #tpu.memory_space<vmem>> -> memref<1x128xi32, #tpu.memory_space<vmem>>
          %dma_wait3A_64 = tpu.memref_squeeze %dma_wait3A_63 : memref<1x128xi32, #tpu.memory_space<vmem>> -> memref<128xi32, #tpu.memory_space<vmem>>
          %dma_wait3A_65 = arith.constant 0 : i32
          %dma_wait3A_66 = tpu.memref_slice %arg11[%dma_wait3A_65] : memref<10240xf32, #tpu.memory_space<vmem_shared>> -> memref<10240xf32, #tpu.memory_space<vmem_shared>>
          tpu.wait_indirect_dma semaphore(%run_scoped3A : memref<!tpu.dma_semaphore, #tpu.memory_space<semaphore_mem>>) src(%arg10 : memref<128xf32, #tpu.memory_space<vmem>>) dst(%dma_wait3A_66 : memref<10240xf32, #tpu.memory_space<vmem_shared>>)
          tpu.yield
        }) : () -> ()
      } else {
      }
    }
    %scan3A_17 = arith.constant 40 : i32
    %barrier3A_18 = arith.constant 0 : index
    tpu.barrier barrier_id(%barrier3A_18)
    %mul3A_19 = arith.constant 640 : i32
    %mul3A_20 = arith.muli %arg1, %mul3A_19 : i32
    %mul3A_21 = arith.constant 640 : i32
    %mul3A_22 = arith.muli %arg1, %mul3A_21 : i32
    "tpu.region"() ({
      %run_scoped3A = tpu.sem_alloc : memref<!tpu.dma_semaphore, #tpu.memory_space<semaphore_mem>>
      %dma_start3A_23 = tpu.memref_slice %arg6[%arg0, %mul3A_22] : memref<2x10240xf32, #tpu.memory_space<hbm>> -> memref<1x640xf32, #tpu.memory_space<hbm>>
      %dma_start3A_24 = tpu.memref_squeeze %dma_start3A_23 : memref<1x640xf32, #tpu.memory_space<hbm>> -> memref<640xf32, #tpu.memory_space<hbm>>
      %dma_start3A_25 = tpu.memref_slice %arg11[%mul3A_20] : memref<10240xf32, #tpu.memory_space<vmem_shared>> -> memref<640xf32, #tpu.memory_space<vmem_shared>>
      tpu.enqueue_dma source(%dma_start3A_25 : memref<640xf32, #tpu.memory_space<vmem_shared>>) target(%dma_start3A_24 : memref<640xf32, #tpu.memory_space<hbm>>) target_semaphore(%run_scoped3A : memref<!tpu.dma_semaphore, #tpu.memory_space<semaphore_mem>>)
      %dma_wait3A = tpu.memref_slice %arg6[%arg0, %mul3A_22] : memref<2x10240xf32, #tpu.memory_space<hbm>> -> memref<1x640xf32, #tpu.memory_space<hbm>>
      %dma_wait3A_26 = tpu.memref_squeeze %dma_wait3A : memref<1x640xf32, #tpu.memory_space<hbm>> -> memref<640xf32, #tpu.memory_space<hbm>>
      %dma_wait3A_27 = tpu.memref_slice %arg11[%mul3A_20] : memref<10240xf32, #tpu.memory_space<vmem_shared>> -> memref<640xf32, #tpu.memory_space<vmem_shared>>
      tpu.wait_dma2 semaphore(%run_scoped3A : memref<!tpu.dma_semaphore, #tpu.memory_space<semaphore_mem>>) src(%dma_wait3A_27 : memref<640xf32, #tpu.memory_space<vmem_shared>>) dst(%dma_wait3A_26 : memref<640xf32, #tpu.memory_space<hbm>>)
      tpu.yield
    }) : () -> ()
    return
  }
}

module attributes {stable_mosaic.version = 14 : i64} {
  func.func @_embed_body(%arg0: i32, %arg1: memref<1024x128xf32, #tpu.memory_space<vmem>>, %arg2: memref<2x1024x128xf32, #tpu.memory_space<vmem>>, %arg3: memref<128x128xf32, #tpu.memory_space<vmem>>, %arg4: memref<1x128xf32, #tpu.memory_space<vmem>>, %arg5: memref<128x1xf32, #tpu.memory_space<vmem>>, %arg6: memref<1024x1xi32, #tpu.memory_space<vmem>>, %arg7: memref<1024x1xf32, #tpu.memory_space<vmem>>, %arg8: memref<64x128xf32, #tpu.memory_space<vmem>>) attributes {dimension_semantics = [#tpu.dimension_semantics<arbitrary>], iteration_bounds = array<i64: 10>, scalar_prefetch = 0 : i64, scratch_operands = 0 : i64, tpu.core_type = #tpu.core_type<tc>, window_params = [{transform_indices = @transform_0, window_bounds = array<i64: 1024, 128>}, {transform_indices = @transform_1, window_bounds = array<i64: 2, 1024, 128>}, {pipeline_mode = #tpu.pipeline_mode<synchronous>, transform_indices = @transform_2, window_bounds = array<i64: 128, 128>}, {pipeline_mode = #tpu.pipeline_mode<synchronous>, transform_indices = @transform_3, window_bounds = array<i64: 1, 128>}, {pipeline_mode = #tpu.pipeline_mode<synchronous>, transform_indices = @transform_4, window_bounds = array<i64: 128, 1>}, {transform_indices = @transform_5, window_bounds = array<i64: 1024, 1>}, {transform_indices = @transform_6, window_bounds = array<i64: 1024, 1>}, {pipeline_mode = #tpu.pipeline_mode<synchronous>, transform_indices = @transform_7, window_bounds = array<i64: 64, 128>}]} {
    %get3A = arith.constant 0 : index
    %get3A_0 = arith.constant 0 : index
    %get3A_1 = vector.load %arg1[%get3A, %get3A_0] : memref<1024x128xf32, #tpu.memory_space<vmem>>, vector<1024x128xf32>
    %get3A_2 = arith.constant 0 : index
    %get3A_3 = arith.constant 0 : index
    %get3A_4 = arith.constant 0 : index
    %get3A_5 = vector.load %arg2[%get3A_2, %get3A_3, %get3A_4] : memref<2x1024x128xf32, #tpu.memory_space<vmem>>, vector<1x1024x128xf32>
    %get3A_6 = vector.shape_cast %get3A_5 : vector<1x1024x128xf32> to vector<1024x128xf32>
    %add3A = arith.addf %get3A_1, %get3A_6 : vector<1024x128xf32>
    %get3A_7 = arith.constant 1 : index
    %get3A_8 = arith.constant 0 : index
    %get3A_9 = arith.constant 0 : index
    %get3A_10 = vector.load %arg2[%get3A_7, %get3A_8, %get3A_9] : memref<2x1024x128xf32, #tpu.memory_space<vmem>>, vector<1x1024x128xf32>
    %get3A_11 = vector.shape_cast %get3A_10 : vector<1x1024x128xf32> to vector<1024x128xf32>
    %add3A_12 = arith.addf %add3A, %get3A_11 : vector<1024x128xf32>
    %get3A_13 = arith.constant 0 : index
    %get3A_14 = arith.constant 0 : index
    %get3A_15 = vector.load %arg3[%get3A_13, %get3A_14] : memref<128x128xf32, #tpu.memory_space<vmem>>, vector<128x128xf32>
    %dot_general3A = arith.constant dense<0.000000e+00> : vector<1024x128xf32>
    %dot_general3A_16 = tpu.matmul %add3A_12, %get3A_15, %dot_general3A {dimension_numbers = #tpu.dot_dimension_numbers<[1], [0], [0], [1], [0, 0, 1, 1], [], []>, transpose_lhs_hint = false} : vector<1024x128xf32>, vector<128x128xf32>, vector<1024x128xf32> -> vector<1024x128xf32>
    %get3A_17 = arith.constant 0 : index
    %get3A_18 = arith.constant 0 : index
    %get3A_19 = vector.load %arg4[%get3A_17, %get3A_18] : memref<1x128xf32, #tpu.memory_space<vmem>>, vector<1x128xf32>
    %add3A_20 = vector.broadcast %get3A_19 : vector<1x128xf32> to vector<1024x128xf32>
    %add3A_21 = arith.addf %dot_general3A_16, %add3A_20 : vector<1024x128xf32>
    %max3A = arith.constant 0.000000e+00 : f32
    %max3A_22 = vector.broadcast %max3A : f32 to vector<1024x128xf32>
    %max3A_23 = arith.maximumf %add3A_21, %max3A_22 : vector<1024x128xf32>
    %get3A_24 = arith.constant 0 : index
    %get3A_25 = arith.constant 0 : index
    %get3A_26 = vector.load %arg5[%get3A_24, %get3A_25] : memref<128x1xf32, #tpu.memory_space<vmem>>, vector<128x1xf32>
    %dot_general3A_27 = arith.constant dense<0.000000e+00> : vector<1024x1xf32>
    %dot_general3A_28 = tpu.matmul %max3A_23, %get3A_26, %dot_general3A_27 {dimension_numbers = #tpu.dot_dimension_numbers<[1], [0], [0], [1], [0, 0, 1, 1], [], []>, transpose_lhs_hint = false} : vector<1024x128xf32>, vector<128x1xf32>, vector<1024x1xf32> -> vector<1024x1xf32>
    %swap3A = arith.constant 0 : index
    %swap3A_29 = arith.constant 0 : index
    %swap3A_30 = vector.load %arg7[%swap3A, %swap3A_29] : memref<1024x1xf32, #tpu.memory_space<vmem>>, vector<1024x1xf32>
    tpu.vector_store %arg7[%swap3A, %swap3A_29], %dot_general3A_28 {strides = array<i32>} : memref<1024x1xf32, #tpu.memory_space<vmem>>, vector<1024x1xf32>,
    %get3A_31 = arith.constant 0 : index
    %get3A_32 = arith.constant 0 : index
    %get3A_33 = vector.load %arg6[%get3A_31, %get3A_32] : memref<1024x1xi32, #tpu.memory_space<vmem>>, vector<1024x1xi32>
    %iota3A = tpu.iota {dimensions = array<i32: 1>} : vector<1024x64xi32>
    %eq3A = vector.broadcast %get3A_33 : vector<1024x1xi32> to vector<1024x64xi32>
    %eq3A_34 = arith.cmpi eq, %eq3A, %iota3A : vector<1024x64xi32>
    %convert_element_type3A = arith.extui %eq3A_34 : vector<1024x64xi1> to vector<1024x64xi32>
    %convert_element_type3A_35 = arith.sitofp %convert_element_type3A : vector<1024x64xi32> to vector<1024x64xf32>
    %dot_general3A_36 = arith.constant dense<0.000000e+00> : vector<64x128xf32>
    %dot_general3A_37 = tpu.matmul %convert_element_type3A_35, %max3A_23, %dot_general3A_36 {dimension_numbers = #tpu.dot_dimension_numbers<[0], [0], [1], [1], [0, 1, 1, 1], [], []>, transpose_lhs_hint = false} : vector<1024x64xf32>, vector<1024x128xf32>, vector<64x128xf32> -> vector<64x128xf32>
    %eq3A_38 = arith.constant 0 : i32
    %eq3A_39 = arith.cmpi eq, %arg0, %eq3A_38 : i32
    %convert_element_type3A_40 = arith.extui %eq3A_39 : i1 to i32
    %cond3A = arith.constant 0 : i32
    %cond3A_41 = arith.cmpi ne, %convert_element_type3A_40, %cond3A : i32
    scf.if %cond3A_41 {
      %swap3A_46 = arith.constant 0 : index
      %swap3A_47 = arith.constant 0 : index
      %swap3A_48 = vector.load %arg8[%swap3A_46, %swap3A_47] : memref<64x128xf32, #tpu.memory_space<vmem>>, vector<64x128xf32>
      tpu.vector_store %arg8[%swap3A_46, %swap3A_47], %dot_general3A_37 {strides = array<i32>} : memref<64x128xf32, #tpu.memory_space<vmem>>, vector<64x128xf32>,
    } else {
    }
    %gt3A = arith.constant 0 : i32
    %gt3A_42 = arith.cmpi sgt, %arg0, %gt3A : i32
    %convert_element_type3A_43 = arith.extui %gt3A_42 : i1 to i32
    %cond3A_44 = arith.constant 0 : i32
    %cond3A_45 = arith.cmpi ne, %convert_element_type3A_43, %cond3A_44 : i32
    scf.if %cond3A_45 {
      %get3A_46 = arith.constant 0 : index
      %get3A_47 = arith.constant 0 : index
      %get3A_48 = vector.load %arg8[%get3A_46, %get3A_47] : memref<64x128xf32, #tpu.memory_space<vmem>>, vector<64x128xf32>
      %add3A_49 = arith.addf %get3A_48, %dot_general3A_37 : vector<64x128xf32>
      %swap3A_50 = arith.constant 0 : index
      %swap3A_51 = arith.constant 0 : index
      %swap3A_52 = vector.load %arg8[%swap3A_50, %swap3A_51] : memref<64x128xf32, #tpu.memory_space<vmem>>, vector<64x128xf32>
      tpu.vector_store %arg8[%swap3A_50, %swap3A_51], %add3A_49 {strides = array<i32>} : memref<64x128xf32, #tpu.memory_space<vmem>>, vector<64x128xf32>,
    } else {
    }
    return
  }
  func.func @transform_0(%arg0: i32) -> (i32, i32) {
    %c0_i32 = arith.constant 0 : i32
    %c0_i32_0 = arith.constant 0 : i32
    return %arg0, %c0_i32 : i32, i32
  }
  func.func @transform_1(%arg0: i32) -> (i32, i32, i32) {
    %c0_i32 = arith.constant 0 : i32
    %c0_i32_0 = arith.constant 0 : i32
    %c0_i32_1 = arith.constant 0 : i32
    return %c0_i32, %arg0, %c0_i32_0 : i32, i32, i32
  }
  func.func @transform_2(%arg0: i32) -> (i32, i32) {
    %c0_i32 = arith.constant 0 : i32
    %c0_i32_0 = arith.constant 0 : i32
    %c0_i32_1 = arith.constant 0 : i32
    return %c0_i32, %c0_i32_0 : i32, i32
  }
  func.func @transform_3(%arg0: i32) -> (i32, i32) {
    %c0_i32 = arith.constant 0 : i32
    %c0_i32_0 = arith.constant 0 : i32
    %c0_i32_1 = arith.constant 0 : i32
    return %c0_i32, %c0_i32_0 : i32, i32
  }
  func.func @transform_4(%arg0: i32) -> (i32, i32) {
    %c0_i32 = arith.constant 0 : i32
    %c0_i32_0 = arith.constant 0 : i32
    %c0_i32_1 = arith.constant 0 : i32
    return %c0_i32, %c0_i32_0 : i32, i32
  }
  func.func @transform_5(%arg0: i32) -> (i32, i32) {
    %c0_i32 = arith.constant 0 : i32
    %c0_i32_0 = arith.constant 0 : i32
    return %arg0, %c0_i32 : i32, i32
  }
  func.func @transform_6(%arg0: i32) -> (i32, i32) {
    %c0_i32 = arith.constant 0 : i32
    %c0_i32_0 = arith.constant 0 : i32
    return %arg0, %c0_i32 : i32, i32
  }
  func.func @transform_7(%arg0: i32) -> (i32, i32) {
    %c0_i32 = arith.constant 0 : i32
    %c0_i32_0 = arith.constant 0 : i32
    %c0_i32_1 = arith.constant 0 : i32
    return %c0_i32, %c0_i32_0 : i32, i32
  }
}

module attributes {stable_mosaic.version = 14 : i64} {
  func.func @_merge_body(%arg0: memref<10240x1xf32, #tpu.memory_space<vmem>>, %arg1: memref<2x10240x1xf32, #tpu.memory_space<vmem>>, %arg2: memref<10240x1xi32, #tpu.memory_space<vmem>>, %arg3: memref<64x128xf32, #tpu.memory_space<vmem>>, %arg4: memref<128x1xf32, #tpu.memory_space<vmem>>, %arg5: memref<1x1xf32, #tpu.memory_space<vmem>>, %arg6: memref<1x1xf32, #tpu.memory_space<vmem>>, %arg7: memref<10240x1xf32, #tpu.memory_space<vmem>>) attributes {dimension_semantics = [], scalar_prefetch = 0 : i64, scratch_operands = 0 : i64, tpu.core_type = #tpu.core_type<tc>} {
    %get3A = arith.constant 0 : index
    %get3A_0 = arith.constant 0 : index
    %get3A_1 = vector.load %arg0[%get3A, %get3A_0] : memref<10240x1xf32, #tpu.memory_space<vmem>>, vector<10240x1xf32>
    %get3A_2 = arith.constant 0 : index
    %get3A_3 = arith.constant 0 : index
    %get3A_4 = arith.constant 0 : index
    %get3A_5 = vector.load %arg1[%get3A_2, %get3A_3, %get3A_4] : memref<2x10240x1xf32, #tpu.memory_space<vmem>>, vector<1x10240x1xf32>
    %get3A_6 = vector.shape_cast %get3A_5 : vector<1x10240x1xf32> to vector<10240x1xf32>
    %add3A = arith.addf %get3A_1, %get3A_6 : vector<10240x1xf32>
    %get3A_7 = arith.constant 1 : index
    %get3A_8 = arith.constant 0 : index
    %get3A_9 = arith.constant 0 : index
    %get3A_10 = vector.load %arg1[%get3A_7, %get3A_8, %get3A_9] : memref<2x10240x1xf32, #tpu.memory_space<vmem>>, vector<1x10240x1xf32>
    %get3A_11 = vector.shape_cast %get3A_10 : vector<1x10240x1xf32> to vector<10240x1xf32>
    %add3A_12 = arith.addf %add3A, %get3A_11 : vector<10240x1xf32>
    %get3A_13 = arith.constant 0 : index
    %get3A_14 = arith.constant 0 : index
    %get3A_15 = vector.load %arg6[%get3A_13, %get3A_14] : memref<1x1xf32, #tpu.memory_space<vmem>>, vector<1x1xf32>
    %get3A_16 = vector.extract %get3A_15[0, 0] : f32 from vector<1x1xf32>
    %add3A_17 = vector.broadcast %get3A_16 : f32 to vector<10240x1xf32>
    %add3A_18 = arith.addf %add3A_12, %add3A_17 : vector<10240x1xf32>
    %tanh3A = math.tanh %add3A_18 : vector<10240x1xf32>
    %mul3A = arith.constant 2.000000e+00 : f32
    %mul3A_19 = vector.broadcast %mul3A : f32 to vector<10240x1xf32>
    %mul3A_20 = arith.mulf %mul3A_19, %tanh3A : vector<10240x1xf32>
    %get3A_21 = arith.constant 0 : index
    %get3A_22 = arith.constant 0 : index
    %get3A_23 = vector.load %arg2[%get3A_21, %get3A_22] : memref<10240x1xi32, #tpu.memory_space<vmem>>, vector<10240x1xi32>
    %iota3A = tpu.iota {dimensions = array<i32: 1>} : vector<10240x64xi32>
    %eq3A = vector.broadcast %get3A_23 : vector<10240x1xi32> to vector<10240x64xi32>
    %eq3A_24 = arith.cmpi eq, %eq3A, %iota3A : vector<10240x64xi32>
    %convert_element_type3A = arith.extui %eq3A_24 : vector<10240x64xi1> to vector<10240x64xi32>
    %convert_element_type3A_25 = arith.sitofp %convert_element_type3A : vector<10240x64xi32> to vector<10240x64xf32>
    %dot_general3A = arith.constant dense<0.000000e+00> : vector<64x1xf32>
    %dot_general3A_26 = tpu.matmul %convert_element_type3A_25, %mul3A_20, %dot_general3A {dimension_numbers = #tpu.dot_dimension_numbers<[0], [0], [1], [1], [0, 1, 1, 1], [], []>, transpose_lhs_hint = false} : vector<10240x64xf32>, vector<10240x1xf32>, vector<64x1xf32> -> vector<64x1xf32>
    %broadcast_in_dim3A = arith.constant 1.000000e+00 : f32
    %broadcast_in_dim3A_27 = vector.broadcast %broadcast_in_dim3A : f32 to vector<10240x1xf32>
    %dot_general3A_28 = arith.constant dense<0.000000e+00> : vector<64x1xf32>
    %dot_general3A_29 = tpu.matmul %convert_element_type3A_25, %broadcast_in_dim3A_27, %dot_general3A_28 {dimension_numbers = #tpu.dot_dimension_numbers<[0], [0], [1], [1], [0, 1, 1, 1], [], []>, transpose_lhs_hint = false} : vector<10240x64xf32>, vector<10240x1xf32>, vector<64x1xf32> -> vector<64x1xf32>
    %get3A_30 = arith.constant 0 : index
    %get3A_31 = arith.constant 0 : index
    %get3A_32 = vector.load %arg3[%get3A_30, %get3A_31] : memref<64x128xf32, #tpu.memory_space<vmem>>, vector<64x128xf32>
    %get3A_33 = arith.constant 0 : index
    %get3A_34 = arith.constant 0 : index
    %get3A_35 = vector.load %arg4[%get3A_33, %get3A_34] : memref<128x1xf32, #tpu.memory_space<vmem>>, vector<128x1xf32>
    %dot_general3A_36 = arith.constant dense<0.000000e+00> : vector<64x1xf32>
    %dot_general3A_37 = tpu.matmul %get3A_32, %get3A_35, %dot_general3A_36 {dimension_numbers = #tpu.dot_dimension_numbers<[1], [0], [0], [1], [0, 0, 1, 1], [], []>, transpose_lhs_hint = false} : vector<64x128xf32>, vector<128x1xf32>, vector<64x1xf32> -> vector<64x1xf32>
    %get3A_38 = arith.constant 0 : index
    %get3A_39 = arith.constant 0 : index
    %get3A_40 = vector.load %arg5[%get3A_38, %get3A_39] : memref<1x1xf32, #tpu.memory_space<vmem>>, vector<1x1xf32>
    %get3A_41 = vector.extract %get3A_40[0, 0] : f32 from vector<1x1xf32>
    %add3A_42 = vector.broadcast %get3A_41 : f32 to vector<64x1xf32>
    %add3A_43 = arith.addf %dot_general3A_37, %add3A_42 : vector<64x1xf32>
    %tanh3A_44 = math.tanh %add3A_43 : vector<64x1xf32>
    %max3A = arith.constant 1.000000e+00 : f32
    %max3A_45 = vector.broadcast %max3A : f32 to vector<64x1xf32>
    %max3A_46 = arith.maximumf %dot_general3A_29, %max3A_45 : vector<64x1xf32>
    %div3A = arith.divf %dot_general3A_26, %max3A_46 : vector<64x1xf32>
    %sub3A = arith.subf %tanh3A_44, %div3A : vector<64x1xf32>
    %dot_general3A_47 = arith.constant dense<0.000000e+00> : vector<10240x1xf32>
    %dot_general3A_48 = tpu.matmul %convert_element_type3A_25, %sub3A, %dot_general3A_47 {dimension_numbers = #tpu.dot_dimension_numbers<[1], [0], [0], [1], [0, 0, 1, 1], [], []>, transpose_lhs_hint = false} : vector<10240x64xf32>, vector<64x1xf32>, vector<10240x1xf32> -> vector<10240x1xf32>
    %add3A_49 = arith.addf %dot_general3A_48, %mul3A_20 : vector<10240x1xf32>
    %tanh3A_50 = math.tanh %add3A_49 : vector<10240x1xf32>
    %swap3A = arith.constant 0 : index
    %swap3A_51 = arith.constant 0 : index
    %swap3A_52 = vector.load %arg7[%swap3A, %swap3A_51] : memref<10240x1xf32, #tpu.memory_space<vmem>>, vector<10240x1xf32>
    tpu.vector_store %arg7[%swap3A, %swap3A_51], %tanh3A_50 {strides = array<i32>} : memref<10240x1xf32, #tpu.memory_space<vmem>>, vector<10240x1xf32>,
    return
  }
}

</mosaic_0001>

<sc_bundles>
// kernel: kernel.6.cloned.1.call-start
scs
__scs_entry_jumppad:
0x0: {  	(pc) =	sbr.rel $0x88, $3  }
0x1: {  	(tag) =	ssettag $0x0;
	lr =	simm.s32 $0x1  }
0x2: {  	[smem:$0x3F98] =	sst lr;
	_ =	strace $0xD0000000  }
0x3: {  	_ = 	snop  }
0x4: {  	_ = 	snop  }
0x5: {  	_ = 	snop  }
0x6: {  	_ = 	snop  }
0x7: {  	_ = 	snop  }
__scs_overlays_trampoline_lowered:
0x8: {  	[smem:$0x3FA7] =	sst s0  }
0x9: {  	[smem:$0x3FA8] =	sst s1  }
0xa: {  	[smem:$0x3FA9] =	sst s2  }
0xb: {  	[smem:$0x3FAA] =	sst s3  }
0xc: {  	[smem:$0x3FAB] =	sst s4  }
0xd: {  	[smem:$0x3FAC] =	sst s5  }
0xe: {  	[smem:$0x3FAD] =	sst s6  }
0xf: {  	[smem:$0x3FAE] =	sst s7  }
0x10: {  	[smem:$0x3FAF] =	sst s8  }
0x11: {  	[smem:$0x3FB0] =	sst s9;
	s0 =	simm.s32 @!p0 $0x0  }
0x12: {  	s1 =	sld [smem:$0x3F96];
	s0 =	simm.s32 @p0 $0x1  }
0x13: {  	[smem:$0x3FB1] =	sst s0;
	s0 =	simm.s32 @!p1 $0x0  }
0x14: {  	s2 =	sld [smem:$0x3F95];
	s0 =	simm.s32 @p1 $0x1  }
0x15: {  	[smem:$0x3FB2] =	sst s0;
	s0 =	simm.s32 @!p2 $0x0  }
0x16: {  	s3 =	sld [smem:$0x3FDB];
	s0 =	simm.s32 @p2 $0x1  }
0x17: {  	s4 =	simm.s32 $0x1BF5;
	[smem:$0x3FB4] =	sst s0  }
0x18: {  	s0 =	sld [smem:$0x3F97];
	_ =	swait.ge [sflag:s4], $0x0  }
0x19: {  	s7 =	sld [smem:$0x3F98]  }
0x1a: {  	s8 =	sadd.s32 $0xFFFFE003, lr  }
0x1b: {  	s9 =	sadd.s32 $0xFFFFFEF7, lr;
	s5 =	simm.s32 $0xFFFFFFFF;
	p2 =	slt.u32 s8, $0xFFFFF086  }
0x1c: {  	p1 =	slt.u32 s9, $0xF7A;
	s5 =	simm.s32 @!p2 $0x0  }
0x1d: {  	s5 =	simm.s32 @p1 $0x1;
	p0 =	seq.s32 s7, s2  }
0x1e: {  	s7 =	smul.u32 @!p0 $0xF7A, s2;
	p2 =	seq.s32 @!p0 s5, $0x0  }
0x1f: {  	s9 =	smul.u32 $0xF7A, s1;
	s8 =	simm.s32 @!p0 $0x1BF5;
	p2 =	por !p2, p0  }
0x20: {  	[sflag:s8] =	ssyncset.s32 @!p0 $0xFFFFF086;
	s6 =	sadd.s32 @!p0 s3, s7;
	s7 =	simm.s32 @!p0 $0x108  }
0x21: {  	s3 =	sadd.s32 s3, s9;
	s6 =	sadd.s32 @!p0 $0x88, s6;
	s7 =	simm.s32 @p2 $0x1082  }
0x22: {  	[simem:s7], [sflag:s8] =	dma.local @!p0 [hbm:s6], $0xF7A  }
0x23: {  	s9 =	sor.u32 $0xD0000000, s2;
	s6 =	simm.s32 $0x108;
	_ =	swait.ge @!p0 [sflag:s8], $0x0  }
0x24: {  	s3 =	sadd.s32 $0x88, s3;
	s6 =	simm.s32 @!p1 $0x1082;
	[sflag:s4] =	ssyncset.s32 $0xFFFFF086  }
0x25: {  	[simem:s6], [sflag:s4] =	dma.local [hbm:s3], $0xF7A  }
0x26: {  	[smem:$0x3F98] =	sst s1;
	(tag) =	ssettag s2;
	_ =	strace s9  }
0x27: {  	s1 =	sld [smem:$0x3FA8]  }
0x28: {  	s2 =	sld [smem:$0x3FA9]  }
0x29: {  	s4 =	sld [smem:$0x3FAB]  }
0x2a: {  	p0 =	seq.s32 s5, $0x0;
	s5 =	sld [smem:$0x3FAC]  }
0x2b: {  	s6 =	sld [smem:$0x3FAD]  }
0x2c: {  	s7 =	sld [smem:$0x3FAE]  }
0x2d: {  	s3 =	simm.s32 $0x108;
	s8 =	sld [smem:$0x3FAF]  }
0x2e: {  	s3 =	simm.s32 @!p0 $0x1082;
	s9 =	sld [smem:$0x3FB0]  }
0x2f: {  	lr =	sadd.s32 s0, s3;
	s0 =	sld [smem:$0x3FA7]  }
0x30: {  	s3 =	sld [smem:$0x3FAA]  }
0x31: {  	[smem:$0x3FB3] =	sst s10  }
0x32: {  	s10 =	sld [smem:$0x3FB1];
	_ =	sdelay $0x3  }
0x33: {  	p0 =	seq.s32 s10, $0x1;
	s10 =	sld [smem:$0x3FB3];
	_ =	sdelay $0x3  }
0x34: {  	[smem:$0x3FB3] =	sst s10  }
0x35: {  	s10 =	sld [smem:$0x3FB2];
	_ =	sdelay $0x3  }
0x36: {  	p1 =	seq.s32 s10, $0x1;
	s10 =	sld [smem:$0x3FB3];
	_ =	sdelay $0x3  }
0x37: {  	[smem:$0x3FB3] =	sst s10  }
0x38: {  	s10 =	sld [smem:$0x3FB4]  }
0x39: {  	_ = 	snop;
	(pc) =	sbr.ind lr, $3  }
0x3a: {  	_ = 	snop  }
0x3b: {  	_ = 	snop  }
0x3c: {  	p2 =	seq.s32 s10, $0x1;
	s10 =	sld [smem:$0x3FB3]  }
0x3d: {  	_ =	shalt  }
0x3e: {  	_ =	shalt  }
0x3f: {  	_ =	shalt  }
0x40: {  	_ =	shalt  }
0x41: {  	_ =	shalt  }
0x42: {  	_ =	shalt  }
0x43: {  	_ =	shalt  }
0x44: {  	_ =	shalt  }
0x45: {  	_ =	shalt  }
0x46: {  	_ =	shalt  }
0x47: {  	_ =	shalt  }
0x48: {  	_ =	shalt  }
0x49: {  	_ =	shalt  }
0x4a: {  	_ =	shalt  }
0x4b: {  	_ =	shalt  }
0x4c: {  	_ =	shalt  }
0x4d: {  	_ =	shalt  }
0x4e: {  	_ =	shalt  }
0x4f: {  	_ =	shalt  }
0x50: {  	_ =	shalt  }
0x51: {  	_ =	shalt  }
0x52: {  	_ =	shalt  }
0x53: {  	_ =	shalt  }
0x54: {  	_ =	shalt  }
0x55: {  	_ =	shalt  }
0x56: {  	_ =	shalt  }
0x57: {  	_ =	shalt  }
0x58: {  	_ =	shalt  }
0x59: {  	_ =	shalt  }
0x5a: {  	_ =	shalt  }
0x5b: {  	_ =	shalt  }
0x5c: {  	_ =	shalt  }
0x5d: {  	_ =	shalt  }
0x5e: {  	_ =	shalt  }
0x5f: {  	_ =	shalt  }
0x60: {  	_ =	shalt  }
0x61: {  	_ =	shalt  }
0x62: {  	_ =	shalt  }
0x63: {  	_ =	shalt  }
0x64: {  	_ =	shalt  }
0x65: {  	_ =	shalt  }
0x66: {  	_ =	shalt  }
0x67: {  	_ =	shalt  }
0x68: {  	_ =	shalt  }
0x69: {  	_ =	shalt  }
0x6a: {  	_ =	shalt  }
0x6b: {  	_ =	shalt  }
0x6c: {  	_ =	shalt  }
0x6d: {  	_ =	shalt  }
0x6e: {  	_ =	shalt  }
0x6f: {  	_ =	shalt  }
0x70: {  	_ =	shalt  }
0x71: {  	_ =	shalt  }
0x72: {  	_ =	shalt  }
0x73: {  	_ =	shalt  }
0x74: {  	_ =	shalt  }
0x75: {  	_ =	shalt  }
0x76: {  	_ =	shalt  }
0x77: {  	_ =	shalt  }
0x78: {  	_ =	shalt  }
0x79: {  	_ =	shalt  }
0x7a: {  	_ =	shalt  }
0x7b: {  	_ =	shalt  }
0x7c: {  	_ =	shalt  }
0x7d: {  	_ =	shalt  }
0x7e: {  	_ =	shalt  }
0x7f: {  	_ =	shalt  }
0x80: {  	_ =	shalt  }
0x81: {  	_ =	shalt  }
0x82: {  	_ =	shalt  }
0x83: {  	_ =	shalt  }
0x84: {  	_ =	shalt  }
0x85: {  	_ =	shalt  }
0x86: {  	_ =	shalt  }
0x87: {  	_ =	shalt  }
.Lfunc_end0:
.L_simem_size_0:
called_computation_lowered:
.L_overlay_start_0:
0x88: {  	s2 =	sld [smem:$0x3FD9]  }
0x89: {  	s3 =	sld [smem:$0x3FFE];
	_ =	sdelay $0x1  }
0x8a: {  	s1 =	srdreg.scid  }
0x8b: {  	s0 =	sand.u32 $0x1, s1  }
0x8c: {  	s16 =	sshll.u32 s0, $0xA;
	s2 =	sadd.s32 s3, s2  }
0x8d: {  	s2 =	sadd.s32 s2, s16  }
0x8e: {  	[smem:$0x3FBF] =	sst s2  }
0x8f: {  	_ = 	snop  }
0x90: {  	(tm) =	ssettm $0x1  }
0x91: {  	s17 =	sld [smem:$0x3FFB];
	_ =	sdelay $0x3  }
0x92: {  	_ =	strace s17  }
0x93: {  	s2 =	sld [smem:$0x3FFC];
	_ =	sdelay $0x3  }
0x94: {  	_ =	strace s2  }
0x95: {  	s2 =	sld [smem:$0x3FFD];
	_ =	sdelay $0x3  }
0x96: {  	_ =	strace s2  }
0x97: {  	_ =	strace $0x8FFFFFFF  }
0x98: {  	s18 =	sld [smem:$0x3FDB];
	_ =	sdelay $0x1  }
0x99: {  	s19 =	simm.s32 $_scs_section_size  }
0x9a: {  	s4 =	simm.s32 $_size__tile_overlayer_lowered;
	s5 =	simm.s32 $_tile_overlayer_lowered  }
0x9b: {  	s22 =	simm.s32 $0x1BFF;
	s21 =	sshll.u32 s5, $0x1;
	s2 =	sadd.s32 s19, s18  }
0x9c: {  	s6 =	simm.s32 $0x0;
	s20 =	sshll.u32 s4, $0x1;
	s4 =	sadd.s32 s21, s2  }
0x9d: {  	[timem:s6], [sflag:s22] =	dma.local [hbm:s4], s20  }
0x9e: {  	_ =	swait.ge [sflag:s22], s20  }
0x9f: {  	s3 =	ssub.s32 $0x0, s20;
	[sflag:s22] =	ssyncset.done $0x0  }
0xa0: {  	[sflag:s22] =	ssyncadd.s32 s3;
	_ =	sdelay $0x1  }
0xa1: {  	s23 =	simm.s32 $0x1B8B  }
0xa2: {  	_ =	swait.ge [sflag:s23], $0x1  }
0xa3: {  	[sflag:s23] =	ssyncset.done $0x0  }
0xa4: {  	s25 =	simm.s32 $0x1B8E;
	s24 =	sld [smem:$0x3FFE];
	[sflag:s23] =	ssyncadd.s32 $0xFFFFFFFF  }
0xa5: {  	s26 =	simm.s32 $execute0_lowered;
	[smem:$0x3FD2] =	sst s25  }
0xa6: {  	s4 =	sshll.u32 s26, $0x1;
	_ =	strace $0x80000046;
	[dreg:$0x1] =	wrdreg $0xFFFFFFFF  }
0xa7: {  	s28 =	simm.s32 $_size_execute0_lowered;
	s2 =	sadd.s32 s2, s4;
	[dreg:$0x0] =	wrdreg $0x0  }
0xa8: {  	s4 =	sshll.u32 s28, $0x1;
	[dreg:$0x2] =	wrdreg s2  }
0xa9: {  	[dreg:$0x3] =	wrdreg s4  }
0xaa: {  	[dreg:$0x4] =	wrdreg $0xC0  }
0xab: {  	_ =	task [dreg:s6], $0x5FFFF  }
0xac: {  	[dreg:$0x1] =	wrdreg $0xFFFFFFFF  }
0xad: {  	[dreg:$0x0] =	wrdreg $0x60  }
0xae: {  	[dreg:$0x2] =	wrdreg s24  }
0xaf: {  	[dreg:$0x3] =	wrdreg $0xA8000  }
0xb0: {  	[dreg:$0x4] =	wrdreg $0x9  }
0xb1: {  	_ =	task.clear_ibuf [dreg:s6], $0x5FFFF;
	_ =	strace $0x90000046  }
0xb2: {  	s29 =	simm.s32 $0x9;
	_ =	strace $0x80000048  }
0xb3: {  	_ =	swait.ge [sflag:s29], $0x1  }
0xb4: {  	[sflag:s29] =	ssyncadd.s32 $0xFFFFFFFF  }
0xb5: {  	_ =	strace $0x90000048  }
0xb6: {  	_ =	sfence  }
0xb7: {  	s30 =	sld [smem:$0x0];
	_ =	sdelay $0x2  }
0xb8: {  	s31 =	sshll.u32 s1, $0xD;
	s1 =	sshrl.u32 s1, $0x2  }
0xb9: {  	s3 =	sand.u32 $0x4000, s31;
	s1 =	sadd.s32 s1, s30  }
0xba: {  	s0 =	sor.u32 s3, s0;
	s1 =	sshll.u32 s1, $0x11  }
0xbb: {  	s0 =	sor.u32 s1, s0  }
0xbc: {  	s0 =	sadd.s32 $0x8F2B, s0  }
0xbd: {  	[sflag:s0] =	ssyncadd.remote.s32 $0x1  }
0xbe: {  	_ =	sfence.sel $0xFFFF  }
0xbf: {  	[dreg:$0x0] =	wrdreg $0xFFFFFFFF;
	(pc) =	sbr.abs _section_cstart, $3  }
0xc0: {  	[dreg:$0x1] =	wrdreg $0xFFFFFFFF  }
0xc1: {  	_ =	task.clear_ibuf [dreg:s6], $0x2FFFF;
	_ =	strace $0x9FFFFFFF  }
0xc2: {  	(tm) =	ssettm $0x7FFFFFFF  }
0xc3: {  	_ =	shalt  }
tec
execute0_lowered:
.L_overlay_start_1:
0x0: {  	(tag) =	ssettag $0x1  }
0x1: {  	s5 =	rddreg [dreg:$0x0]  }
0x2: {  	s2 =	rddreg [dreg:$0x1]  }
0x3: {  	s0 =	rddreg [dreg:$0x2];
	s3 =	simm.s32 $0x0  }
0x4: {  	s1 =	stileid.u32;
	s4 =	srdreg.scid;
	s17 =	simm.s32 $0x2800  }
0x5: {  	s18 =	simm.s32 $0x6800;
	s19 =	simm.s32 $0x1;
	s20 =	simm.s32 $0x2  }
0x6: {  	s21 =	simm.s32 $0x1380;
	s22 =	simm.s32 $0x2700;
	s23 =	simm.s32 $0x2780  }
0x7: {  	s24 =	simm.s32 $0x0;
	[smem:$0x7FF] =	sst s3;
	s6 =	smul.u32 $0x14000, s1  }
0x8: {  	s7 =	sand.u32 $0x1, s4;
	s4 =	sadd.s32 $0x14C00, s5;
	s10 =	sadd.s32 $0xAC00, s5  }
0x9: {  	s11 =	sadd.s32 $0xC00, s5;
	s25 =	sshll.u32 s1, $0x1;
	s12 =	smul.u32 $0x50000, s1  }
0xa: {  	s28 =	sshll.u32 s1, $0x6;
	_ =	strace $0x80000047;
	s9 =	smul.u32 $0x140000, s7  }
0xb: {  	s13 =	ssub.s32 $0x2, s7;
	s7 =	sor.u32 s7, s25;
	s8 =	sshrl.u32 s6, $0x3  }
0xc: {  	s26 =	sshrl.u32 s13, $0x1;
	s12 =	sshrl.u32 s12, $0x2;
	s14 =	smul.u32 $0x2800, s7  }
0xd: {  	s29 =	smul.u32 $0x500, s7;
	s8 =	sadd.s32 s8, s5;
	s6 =	sadd.s32 s6, s9  }
0xe: {  	s13 =	ssub.s32 s13, s26;
	s16 =	sadd.s32 s12, s2;
	s6 =	sshrl.u32 s6, $0x3  }
0xf: {  	s30 =	sshrl.u32 s14, $0x3;
	s7 =	sadd.s32 s10, s29;
	s12 =	smax.u32 s13, $0x1  }
0x10: {  	s13 =	sshrl.u32 s16, $0x3;
	s14 =	simm.s32 $0x3;
	s16 =	simm.s32 $0x80  }
0x11: {  	s15 =	sadd.s32 s6, s5;
	s5 =	sadd.s32 $0x3CC00, s8;
	s31 =	sadd.s32 $0x280, s30  }
0x12: {  	s6 =	sor.u32 $0x1C03, s28;
	s8 =	sadd.s32 s11, s29;
	s9 =	sadd.s32 s10, s31  }
0x13: {  	s10 =	sadd.s32 s11, s31;
	s11 =	sadd.s32 $0x64C00, s15;
	s15 =	simm.s32 $0x1400  }
.LBB2_1:
0x14: {  	[spmem:s13], [sflag:s6] =	dma.local [hbm:s5], $0x2800  }
0x15: {  	_ =	swait.ge [sflag:s14], $0x2800  }
0x16: {  	[sflag:s14] =	ssyncset.done $0x0  }
0x17: {  	[sflag:s14] =	ssyncadd.s32 $0xFFFFD800  }
0x18: {  	[bflag:$0x0] =	sbarrier.arrive $0xFFFF  }
0x19: {  	[tilespmem:s3], [sflag:$0x3] =	stream.linear.gather [hbm4b:s7+s3], $0x1400, $0x38;
	[tilespmem:$0x1E800] =	vst v63  }
0x1a: {  	_ =	swait.ge [sflag:s14], $0x1400  }
0x1b: {  	[sflag:s14] =	ssyncset.done $0x0  }
0x1c: {  	[sflag:s14] =	ssyncadd.s32 $0xFFFFEC00  }
0x1d: {  	[tilespmem:s15], [sflag:$0x3] =	stream.linear.gather [hbm4b:s8+s3], $0x1400, $0x38;
	[tilespmem:$0x1E800] =	vst v63  }
0x1e: {  	_ =	swait.ge [sflag:s14], $0x1400  }
0x1f: {  	[sflag:s14] =	ssyncset.done $0x0  }
0x20: {  	[sflag:s14] =	ssyncadd.s32 $0xFFFFEC00  }
0x21: {  	[tilespmem:s17], [sflag:$0x1] =	stream.indirect.gather [hbm4b:s4+s16], $0x80, s3, s16, $0xb8;
	[tilespmem:$0x1E800] =	vst v63  }
0x22: {  	s25 =	simm.s32 $0x80  }
0x23: {  	[tilespmem:s18], [sflag:$0x2] =	stream.indirect.gather [hbm4b:s4+s16], $0x80, s25, s16, $0xb8;
	[tilespmem:$0x1E800] =	vst v63  }
0x24: {  	_ =	swait.ge [sflag:s19], $0x4000  }
0x25: {  	[sflag:s19] =	ssyncset.done $0x0  }
0x26: {  	s29 =	simm.s32 $0x1400;
	[sflag:s19] =	ssyncadd.s32 $0xFFFFC000  }
0x27: {  	[spmem:s2] =	stream.indirect.scatter.add.f32 [tilespmem:s17], [sflag:$0x3], $0x80, s29, s16, $0xb8;
	[tilespmem:$0x1E800] =	vst v63  }
0x28: {  	_ =	swait.ge [sflag:s14], $0x4000  }
0x29: {  	[sflag:s14] =	ssyncset.done $0x0  }
0x2a: {  	s30 =	simm.s32 $0x100;
	[sflag:s14] =	ssyncadd.s32 $0xFFFFC000  }
0x2b: {  	[tilespmem:s17], [sflag:$0x1] =	stream.indirect.gather [hbm4b:s4+s16], $0x80, s30, s16, $0xb8;
	[tilespmem:$0x1E800] =	vst v63  }
0x2c: {  	_ =	swait.ge [sflag:s20], $0x4000  }
0x2d: {  	[sflag:s20] =	ssyncset.done $0x0  }
0x2e: {  	s31 =	simm.s32 $0x1480;
	[sflag:s20] =	ssyncadd.s32 $0xFFFFC000  }
0x2f: {  	[spmem:s2] =	stream.indirect.scatter.add.f32 [tilespmem:s18], [sflag:$0x3], $0x80, s31, s16, $0xb8;
	[tilespmem:$0x1E800] =	vst v63  }
0x30: {  	_ =	swait.ge [sflag:s14], $0x4000  }
0x31: {  	s26 =	simm.s32 $0x800;
	s25 =	simm.s32 $0x100;
	[sflag:s14] =	ssyncset.done $0x0  }
.LBB2_2:
0x32: {  	s28 =	sadd.s32 $0x80, s25  }
0x33: {  	[sflag:s14] =	ssyncadd.s32 $0xFFFFC000;
	s29 =	smov.u32 s26;
	s30 =	sadd.s32 $0x400, s26  }
0x34: {  	[tilespmem:s18], [sflag:$0x2] =	stream.indirect.gather [hbm4b:s4+s16], $0x80, s28, s16, $0xb8;
	[tilespmem:$0x1E800] =	vst v63  }
0x35: {  	p0 =	sne.s32 s26, $0x4800;
	_ =	swait.ge [sflag:s19], $0x4000  }
0x36: {  	[sflag:s19] =	ssyncset.done $0x0  }
0x37: {  	s26 =	sadd.s32 $0x1400, s25;
	[sflag:s19] =	ssyncadd.s32 $0xFFFFC000  }
0x38: {  	[spmem:s2] =	stream.indirect.scatter.add.f32 [tilespmem:s17], [sflag:$0x3], $0x80, s26, s16, $0xb8;
	[tilespmem:$0x1E800] =	vst v63  }
0x39: {  	_ =	swait.ge [sflag:s14], $0x4000  }
0x3a: {  	[sflag:s14] =	ssyncset.done $0x0  }
0x3b: {  	s26 =	sadd.s32 $0x100, s25;
	[sflag:s14] =	ssyncadd.s32 $0xFFFFC000  }
0x3c: {  	[tilespmem:s17], [sflag:$0x1] =	stream.indirect.gather [hbm4b:s4+s16], $0x80, s26, s16, $0xb8;
	[tilespmem:$0x1E800] =	vst v63  }
0x3d: {  	_ =	swait.ge [sflag:s20], $0x4000  }
.Ltmp0:
0x3e: {  	[sflag:s20] =	ssyncset.done $0x0;
	(pc) =	sbr.rel @p0 .LBB2_2-.Ltmp0, $4  }
0x3f: {  	s25 =	sadd.s32 $0x1480, s25;
	[sflag:s20] =	ssyncadd.s32 $0xFFFFC000  }
0x40: {  	[spmem:s2] =	stream.indirect.scatter.add.f32 [tilespmem:s18], [sflag:$0x3], $0x80, s25, s16, $0xb8;
	[tilespmem:$0x1E800] =	vst v63  }
0x41: {  	_ =	swait.ge [sflag:s14], $0x4000  }
0x42: {  	s26 =	smov.u32 s30;
	s25 =	sshra.s32 s29, $0x2;
	[sflag:s14] =	ssyncset.done $0x0  }
0x43: {  	s26 =	sadd.s32 $0x80, s25;
	[sflag:s14] =	ssyncadd.s32 $0xFFFFC000  }
0x44: {  	[tilespmem:s18], [sflag:$0x2] =	stream.indirect.gather [hbm4b:s4+s16], $0x80, s26, s16, $0xb8;
	[tilespmem:$0x1E800] =	vst v63  }
0x45: {  	_ =	swait.ge [sflag:s19], $0x4000  }
0x46: {  	[sflag:s19] =	ssyncset.done $0x0  }
0x47: {  	s29 =	sadd.s32 $0x1400, s25;
	[sflag:s19] =	ssyncadd.s32 $0xFFFFC000  }
0x48: {  	[spmem:s2] =	stream.indirect.scatter.add.f32 [tilespmem:s17], [sflag:$0x3], $0x80, s29, s16, $0xb8;
	[tilespmem:$0x1E800] =	vst v63  }
0x49: {  	_ =	swait.ge [sflag:s14], $0x4000  }
0x4a: {  	[sflag:s14] =	ssyncset.done $0x0  }
0x4b: {  	s30 =	sadd.s32 $0x100, s25;
	[sflag:s14] =	ssyncadd.s32 $0xFFFFC000  }
0x4c: {  	[tilespmem:s17], [sflag:$0x1] =	stream.indirect.gather [hbm4b:s4+s16], $0x80, s30, s16, $0xb8;
	[tilespmem:$0x1E800] =	vst v63  }
0x4d: {  	_ =	swait.ge [sflag:s20], $0x4000  }
0x4e: {  	[sflag:s20] =	ssyncset.done $0x0  }
0x4f: {  	s31 =	sadd.s32 $0x1480, s25;
	[sflag:s20] =	ssyncadd.s32 $0xFFFFC000  }
0x50: {  	[spmem:s2] =	stream.indirect.scatter.add.f32 [tilespmem:s18], [sflag:$0x3], $0x80, s31, s16, $0xb8;
	[tilespmem:$0x1E800] =	vst v63  }
0x51: {  	_ =	swait.ge [sflag:s14], $0x4000  }
0x52: {  	[sflag:s14] =	ssyncset.done $0x0  }
0x53: {  	[sflag:s14] =	ssyncadd.s32 $0xFFFFC000  }
0x54: {  	[tilespmem:s18], [sflag:$0x2] =	stream.indirect.gather [hbm4b:s4+s16], $0x80, s21, s16, $0xb8;
	[tilespmem:$0x1E800] =	vst v63  }
0x55: {  	_ =	swait.ge [sflag:s19], $0x4000  }
0x56: {  	[sflag:s19] =	ssyncset.done $0x0  }
0x57: {  	[sflag:s19] =	ssyncadd.s32 $0xFFFFC000  }
0x58: {  	[spmem:s2] =	stream.indirect.scatter.add.f32 [tilespmem:s17], [sflag:$0x3], $0x80, s22, s16, $0xb8;
	[tilespmem:$0x1E800] =	vst v63  }
0x59: {  	_ =	swait.ge [sflag:s14], $0x4000  }
0x5a: {  	[sflag:s14] =	ssyncset.done $0x0  }
0x5b: {  	[sflag:s14] =	ssyncadd.s32 $0xFFFFC000  }
0x5c: {  	_ =	swait.ge [sflag:s20], $0x4000  }
0x5d: {  	[sflag:s20] =	ssyncset.done $0x0  }
0x5e: {  	[sflag:s20] =	ssyncadd.s32 $0xFFFFC000  }
0x5f: {  	[spmem:s2] =	stream.indirect.scatter.add.f32 [tilespmem:s18], [sflag:$0x3], $0x80, s23, s16, $0xb8;
	[tilespmem:$0x1E800] =	vst v63  }
0x60: {  	_ =	swait.ge [sflag:s14], $0x4000  }
0x61: {  	[sflag:s14] =	ssyncset.done $0x0  }
0x62: {  	s26 =	simm.s32 $0x0;
	[sflag:s14] =	ssyncadd.s32 $0xFFFFC000  }
0x63: {  	[tilespmem:s26], [sflag:$0x3] =	stream.linear.gather [hbm4b:s9+s26], $0x1400, $0x38;
	[tilespmem:$0x1E800] =	vst v63  }
0x64: {  	_ =	swait.ge [sflag:s14], $0x1400  }
0x65: {  	[sflag:s14] =	ssyncset.done $0x0  }
0x66: {  	[sflag:s14] =	ssyncadd.s32 $0xFFFFEC00  }
0x67: {  	[tilespmem:s15], [sflag:$0x3] =	stream.linear.gather [hbm4b:s10+s26], $0x1400, $0x38;
	[tilespmem:$0x1E800] =	vst v63  }
0x68: {  	_ =	swait.ge [sflag:s14], $0x1400  }
0x69: {  	[sflag:s14] =	ssyncset.done $0x0  }
0x6a: {  	[sflag:s14] =	ssyncadd.s32 $0xFFFFEC00  }
0x6b: {  	[tilespmem:s17], [sflag:$0x1] =	stream.indirect.gather [hbm4b:s4+s16], $0x80, s26, s16, $0xb8;
	[tilespmem:$0x1E800] =	vst v63  }
0x6c: {  	s28 =	simm.s32 $0x80  }
0x6d: {  	[tilespmem:s18], [sflag:$0x2] =	stream.indirect.gather [hbm4b:s4+s16], $0x80, s28, s16, $0xb8;
	[tilespmem:$0x1E800] =	vst v63  }
0x6e: {  	_ =	swait.ge [sflag:s19], $0x4000  }
0x6f: {  	[sflag:s19] =	ssyncset.done $0x0  }
0x70: {  	s29 =	simm.s32 $0x1400;
	[sflag:s19] =	ssyncadd.s32 $0xFFFFC000  }
0x71: {  	[spmem:s2] =	stream.indirect.scatter.add.f32 [tilespmem:s17], [sflag:$0x3], $0x80, s29, s16, $0xb8;
	[tilespmem:$0x1E800] =	vst v63  }
0x72: {  	_ =	swait.ge [sflag:s14], $0x4000  }
0x73: {  	[sflag:s14] =	ssyncset.done $0x0  }
0x74: {  	s30 =	simm.s32 $0x100;
	[sflag:s14] =	ssyncadd.s32 $0xFFFFC000  }
0x75: {  	[tilespmem:s17], [sflag:$0x1] =	stream.indirect.gather [hbm4b:s4+s16], $0x80, s30, s16, $0xb8;
	[tilespmem:$0x1E800] =	vst v63  }
0x76: {  	_ =	swait.ge [sflag:s20], $0x4000  }
0x77: {  	[sflag:s20] =	ssyncset.done $0x0  }
0x78: {  	s31 =	simm.s32 $0x1480;
	[sflag:s20] =	ssyncadd.s32 $0xFFFFC000  }
0x79: {  	[spmem:s2] =	stream.indirect.scatter.add.f32 [tilespmem:s18], [sflag:$0x3], $0x80, s31, s16, $0xb8;
	[tilespmem:$0x1E800] =	vst v63  }
0x7a: {  	_ =	swait.ge [sflag:s14], $0x4000  }
0x7b: {  	s25 =	simm.s32 $0x100;
	s26 =	simm.s32 $0x800;
	[sflag:s14] =	ssyncset.done $0x0  }
.LBB2_4:
0x7c: {  	s28 =	sadd.s32 $0x80, s25  }
0x7d: {  	[sflag:s14] =	ssyncadd.s32 $0xFFFFC000;
	s29 =	smov.u32 s26;
	s30 =	sadd.s32 $0x400, s26  }
0x7e: {  	[tilespmem:s18], [sflag:$0x2] =	stream.indirect.gather [hbm4b:s4+s16], $0x80, s28, s16, $0xb8;
	[tilespmem:$0x1E800] =	vst v63  }
0x7f: {  	p0 =	sne.s32 s26, $0x4800;
	_ =	swait.ge [sflag:s19], $0x4000  }
0x80: {  	[sflag:s19] =	ssyncset.done $0x0  }
0x81: {  	s26 =	sadd.s32 $0x1400, s25;
	[sflag:s19] =	ssyncadd.s32 $0xFFFFC000  }
0x82: {  	[spmem:s2] =	stream.indirect.scatter.add.f32 [tilespmem:s17], [sflag:$0x3], $0x80, s26, s16, $0xb8;
	[tilespmem:$0x1E800] =	vst v63  }
0x83: {  	_ =	swait.ge [sflag:s14], $0x4000  }
0x84: {  	[sflag:s14] =	ssyncset.done $0x0  }
0x85: {  	s26 =	sadd.s32 $0x100, s25;
	[sflag:s14] =	ssyncadd.s32 $0xFFFFC000  }
0x86: {  	[tilespmem:s17], [sflag:$0x1] =	stream.indirect.gather [hbm4b:s4+s16], $0x80, s26, s16, $0xb8;
	[tilespmem:$0x1E800] =	vst v63  }
0x87: {  	_ =	swait.ge [sflag:s20], $0x4000  }
.Ltmp1:
0x88: {  	[sflag:s20] =	ssyncset.done $0x0;
	(pc) =	sbr.rel @p0 .LBB2_4-.Ltmp1, $4  }
0x89: {  	s25 =	sadd.s32 $0x1480, s25;
	[sflag:s20] =	ssyncadd.s32 $0xFFFFC000  }
0x8a: {  	[spmem:s2] =	stream.indirect.scatter.add.f32 [tilespmem:s18], [sflag:$0x3], $0x80, s25, s16, $0xb8;
	[tilespmem:$0x1E800] =	vst v63  }
0x8b: {  	_ =	swait.ge [sflag:s14], $0x4000  }
0x8c: {  	s26 =	smov.u32 s30;
	s25 =	sshra.s32 s29, $0x2;
	[sflag:s14] =	ssyncset.done $0x0  }
0x8d: {  	s26 =	sadd.s32 $0x80, s25;
	[sflag:s14] =	ssyncadd.s32 $0xFFFFC000  }
0x8e: {  	[tilespmem:s18], [sflag:$0x2] =	stream.indirect.gather [hbm4b:s4+s16], $0x80, s26, s16, $0xb8;
	[tilespmem:$0x1E800] =	vst v63  }
0x8f: {  	_ =	swait.ge [sflag:s19], $0x4000  }
0x90: {  	[sflag:s19] =	ssyncset.done $0x0  }
0x91: {  	s29 =	sadd.s32 $0x1400, s25;
	[sflag:s19] =	ssyncadd.s32 $0xFFFFC000  }
0x92: {  	[spmem:s2] =	stream.indirect.scatter.add.f32 [tilespmem:s17], [sflag:$0x3], $0x80, s29, s16, $0xb8;
	[tilespmem:$0x1E800] =	vst v63  }
0x93: {  	_ =	swait.ge [sflag:s14], $0x4000  }
0x94: {  	[sflag:s14] =	ssyncset.done $0x0  }
0x95: {  	s30 =	sadd.s32 $0x100, s25;
	[sflag:s14] =	ssyncadd.s32 $0xFFFFC000  }
0x96: {  	[tilespmem:s17], [sflag:$0x1] =	stream.indirect.gather [hbm4b:s4+s16], $0x80, s30, s16, $0xb8;
	[tilespmem:$0x1E800] =	vst v63  }
0x97: {  	_ =	swait.ge [sflag:s20], $0x4000  }
0x98: {  	[sflag:s20] =	ssyncset.done $0x0  }
0x99: {  	s31 =	sadd.s32 $0x1480, s25;
	[sflag:s20] =	ssyncadd.s32 $0xFFFFC000  }
0x9a: {  	[spmem:s2] =	stream.indirect.scatter.add.f32 [tilespmem:s18], [sflag:$0x3], $0x80, s31, s16, $0xb8;
	[tilespmem:$0x1E800] =	vst v63  }
0x9b: {  	_ =	swait.ge [sflag:s14], $0x4000  }
0x9c: {  	[sflag:s14] =	ssyncset.done $0x0  }
0x9d: {  	[sflag:s14] =	ssyncadd.s32 $0xFFFFC000  }
0x9e: {  	[tilespmem:s18], [sflag:$0x2] =	stream.indirect.gather [hbm4b:s4+s16], $0x80, s21, s16, $0xb8;
	[tilespmem:$0x1E800] =	vst v63  }
0x9f: {  	_ =	swait.ge [sflag:s19], $0x4000  }
0xa0: {  	[sflag:s19] =	ssyncset.done $0x0  }
0xa1: {  	[sflag:s19] =	ssyncadd.s32 $0xFFFFC000  }
0xa2: {  	[spmem:s2] =	stream.indirect.scatter.add.f32 [tilespmem:s17], [sflag:$0x3], $0x80, s22, s16, $0xb8;
	[tilespmem:$0x1E800] =	vst v63  }
0xa3: {  	_ =	swait.ge [sflag:s14], $0x4000  }
0xa4: {  	[sflag:s14] =	ssyncset.done $0x0  }
0xa5: {  	[sflag:s14] =	ssyncadd.s32 $0xFFFFC000  }
0xa6: {  	_ =	swait.ge [sflag:s20], $0x4000  }
0xa7: {  	[sflag:s20] =	ssyncset.done $0x0  }
0xa8: {  	[sflag:s20] =	ssyncadd.s32 $0xFFFFC000  }
0xa9: {  	[spmem:s2] =	stream.indirect.scatter.add.f32 [tilespmem:s18], [sflag:$0x3], $0x80, s23, s16, $0xb8;
	[tilespmem:$0x1E800] =	vst v63  }
0xaa: {  	_ =	swait.ge [sflag:s14], $0x4000  }
0xab: {  	s24 =	sadd.s32 $0x1, s24;
	[sflag:s14] =	ssyncset.done $0x0  }
0xac: {  	p0 =	sne.s32 s24, s12;
	[sflag:s14] =	ssyncadd.s32 $0xFFFFC000  }
.Ltmp2:
0xad: {  	[bflag:$0x0] =	sbarrier.arrive $0xFFFF;
	(pc) =	sbr.rel @p0 .LBB2_1-.Ltmp2, $4  }
0xae: {  	[hbm:s11], [sflag:s6] =	dma.local [spmem:s13], $0x2800  }
0xaf: {  	_ =	swait.ge [sflag:s14], $0x2800  }
0xb0: {  	[sflag:s14] =	ssyncset.done $0x0  }
0xb1: {  	[sflag:s14] =	ssyncadd.s32 $0xFFFFD800  }
0xb2: {  	_ =	sfence.sel $0x180000  }
0xb3: {  	[bflag:$0x0] =	sbarrier.arrive $0xFFFF  }
0xb4: {  	p0 =	sne.s32 s1, $0x0;
	_ =	strace $0x90000047  }
0xb5: {  	s0 =	sadd.s32 @!p0 $0x100000, s0;
	[bflag:$0x2] =	sbarrier.arrive $0xFFFF  }
0xb6: {  	[sflag:s0] =	ssyncadd.tile.s32 @!p0 $0x1;
	_ =	shalt  }
.Lfunc_end2:
_tile_overlayer_lowered:
.L_overlay_start_2:
0xb7: {  	(tag) =	ssettag $0x2  }
0xb8: {  	s0 =	rddreg [dreg:$0x0];
	s2 =	stileid.u32  }
0xb9: {  	s1 =	rddreg [dreg:$0x1];
	p0 =	sne.s32 s2, $0x0  }
0xba: {  	s3 =	rddreg [dreg:$0x2];
	[bflag:$0x3] =	sbarrier.arrive $0xFFFF;
	s2 =	simm.s32 @!p0 $0x1C03  }
0xbb: {  	[timem:s3], [sflag:s2] =	dma.local @!p0 [hbm:s0], s1  }
0xbc: {  	s0 =	simm.s32 @!p0 $0x3  }
0xbd: {  	_ =	swait.ge @!p0 [sflag:s0], s1  }
0xbe: {  	s1 =	ssub.s32 @!p0 $0x0, s1;
	[sflag:s0] =	ssyncset.done @!p0 $0x0  }
0xbf: {  	[sflag:s0] =	ssyncadd.s32 @!p0 s1  }
0xc0: {  	[bflag:$0x3] =	sbarrier.arrive $0xFFFF  }
0xc1: {  	_ =	shalt  }

// kernel: kernel.9.cloned.1.call-start
scs
__scs_entry_jumppad:
0x0: {  	(pc) =	sbr.rel $0x88, $3  }
0x1: {  	(tag) =	ssettag $0x0;
	lr =	simm.s32 $0x1  }
0x2: {  	[smem:$0x3F98] =	sst lr;
	_ =	strace $0xD0000000  }
0x3: {  	_ = 	snop  }
0x4: {  	_ = 	snop  }
0x5: {  	_ = 	snop  }
0x6: {  	_ = 	snop  }
0x7: {  	_ = 	snop  }
__scs_overlays_trampoline_lowered:
0x8: {  	[smem:$0x3FA7] =	sst s0  }
0x9: {  	[smem:$0x3FA8] =	sst s1  }
0xa: {  	[smem:$0x3FA9] =	sst s2  }
0xb: {  	[smem:$0x3FAA] =	sst s3  }
0xc: {  	[smem:$0x3FAB] =	sst s4  }
0xd: {  	[smem:$0x3FAC] =	sst s5  }
0xe: {  	[smem:$0x3FAD] =	sst s6  }
0xf: {  	[smem:$0x3FAE] =	sst s7  }
0x10: {  	[smem:$0x3FAF] =	sst s8  }
0x11: {  	[smem:$0x3FB0] =	sst s9;
	s0 =	simm.s32 @!p0 $0x0  }
0x12: {  	s1 =	sld [smem:$0x3F96];
	s0 =	simm.s32 @p0 $0x1  }
0x13: {  	[smem:$0x3FB1] =	sst s0;
	s0 =	simm.s32 @!p1 $0x0  }
0x14: {  	s2 =	sld [smem:$0x3F95];
	s0 =	simm.s32 @p1 $0x1  }
0x15: {  	[smem:$0x3FB2] =	sst s0;
	s0 =	simm.s32 @!p2 $0x0  }
0x16: {  	s3 =	sld [smem:$0x3FDB];
	s0 =	simm.s32 @p2 $0x1  }
0x17: {  	s4 =	simm.s32 $0x1BF5;
	[smem:$0x3FB4] =	sst s0  }
0x18: {  	s0 =	sld [smem:$0x3F97];
	_ =	swait.ge [sflag:s4], $0x0  }
0x19: {  	s7 =	sld [smem:$0x3F98]  }
0x1a: {  	s8 =	sadd.s32 $0xFFFFE003, lr  }
0x1b: {  	s9 =	sadd.s32 $0xFFFFFEF7, lr;
	s5 =	simm.s32 $0xFFFFFFFF;
	p2 =	slt.u32 s8, $0xFFFFF086  }
0x1c: {  	p1 =	slt.u32 s9, $0xF7A;
	s5 =	simm.s32 @!p2 $0x0  }
0x1d: {  	s5 =	simm.s32 @p1 $0x1;
	p0 =	seq.s32 s7, s2  }
0x1e: {  	s7 =	smul.u32 @!p0 $0xF7A, s2;
	p2 =	seq.s32 @!p0 s5, $0x0  }
0x1f: {  	s9 =	smul.u32 $0xF7A, s1;
	s8 =	simm.s32 @!p0 $0x1BF5;
	p2 =	por !p2, p0  }
0x20: {  	[sflag:s8] =	ssyncset.s32 @!p0 $0xFFFFF086;
	s6 =	sadd.s32 @!p0 s3, s7;
	s7 =	simm.s32 @!p0 $0x108  }
0x21: {  	s3 =	sadd.s32 s3, s9;
	s6 =	sadd.s32 @!p0 $0x88, s6;
	s7 =	simm.s32 @p2 $0x1082  }
0x22: {  	[simem:s7], [sflag:s8] =	dma.local @!p0 [hbm:s6], $0xF7A  }
0x23: {  	s9 =	sor.u32 $0xD0000000, s2;
	s6 =	simm.s32 $0x108;
	_ =	swait.ge @!p0 [sflag:s8], $0x0  }
0x24: {  	s3 =	sadd.s32 $0x88, s3;
	s6 =	simm.s32 @!p1 $0x1082;
	[sflag:s4] =	ssyncset.s32 $0xFFFFF086  }
0x25: {  	[simem:s6], [sflag:s4] =	dma.local [hbm:s3], $0xF7A  }
0x26: {  	[smem:$0x3F98] =	sst s1;
	(tag) =	ssettag s2;
	_ =	strace s9  }
0x27: {  	s1 =	sld [smem:$0x3FA8]  }
0x28: {  	s2 =	sld [smem:$0x3FA9]  }
0x29: {  	s4 =	sld [smem:$0x3FAB]  }
0x2a: {  	p0 =	seq.s32 s5, $0x0;
	s5 =	sld [smem:$0x3FAC]  }
0x2b: {  	s6 =	sld [smem:$0x3FAD]  }
0x2c: {  	s7 =	sld [smem:$0x3FAE]  }
0x2d: {  	s3 =	simm.s32 $0x108;
	s8 =	sld [smem:$0x3FAF]  }
0x2e: {  	s3 =	simm.s32 @!p0 $0x1082;
	s9 =	sld [smem:$0x3FB0]  }
0x2f: {  	lr =	sadd.s32 s0, s3;
	s0 =	sld [smem:$0x3FA7]  }
0x30: {  	s3 =	sld [smem:$0x3FAA]  }
0x31: {  	[smem:$0x3FB3] =	sst s10  }
0x32: {  	s10 =	sld [smem:$0x3FB1];
	_ =	sdelay $0x3  }
0x33: {  	p0 =	seq.s32 s10, $0x1;
	s10 =	sld [smem:$0x3FB3];
	_ =	sdelay $0x3  }
0x34: {  	[smem:$0x3FB3] =	sst s10  }
0x35: {  	s10 =	sld [smem:$0x3FB2];
	_ =	sdelay $0x3  }
0x36: {  	p1 =	seq.s32 s10, $0x1;
	s10 =	sld [smem:$0x3FB3];
	_ =	sdelay $0x3  }
0x37: {  	[smem:$0x3FB3] =	sst s10  }
0x38: {  	s10 =	sld [smem:$0x3FB4]  }
0x39: {  	_ = 	snop;
	(pc) =	sbr.ind lr, $3  }
0x3a: {  	_ = 	snop  }
0x3b: {  	_ = 	snop  }
0x3c: {  	p2 =	seq.s32 s10, $0x1;
	s10 =	sld [smem:$0x3FB3]  }
0x3d: {  	_ =	shalt  }
0x3e: {  	_ =	shalt  }
0x3f: {  	_ =	shalt  }
0x40: {  	_ =	shalt  }
0x41: {  	_ =	shalt  }
0x42: {  	_ =	shalt  }
0x43: {  	_ =	shalt  }
0x44: {  	_ =	shalt  }
0x45: {  	_ =	shalt  }
0x46: {  	_ =	shalt  }
0x47: {  	_ =	shalt  }
0x48: {  	_ =	shalt  }
0x49: {  	_ =	shalt  }
0x4a: {  	_ =	shalt  }
0x4b: {  	_ =	shalt  }
0x4c: {  	_ =	shalt  }
0x4d: {  	_ =	shalt  }
0x4e: {  	_ =	shalt  }
0x4f: {  	_ =	shalt  }
0x50: {  	_ =	shalt  }
0x51: {  	_ =	shalt  }
0x52: {  	_ =	shalt  }
0x53: {  	_ =	shalt  }
0x54: {  	_ =	shalt  }
0x55: {  	_ =	shalt  }
0x56: {  	_ =	shalt  }
0x57: {  	_ =	shalt  }
0x58: {  	_ =	shalt  }
0x59: {  	_ =	shalt  }
0x5a: {  	_ =	shalt  }
0x5b: {  	_ =	shalt  }
0x5c: {  	_ =	shalt  }
0x5d: {  	_ =	shalt  }
0x5e: {  	_ =	shalt  }
0x5f: {  	_ =	shalt  }
0x60: {  	_ =	shalt  }
0x61: {  	_ =	shalt  }
0x62: {  	_ =	shalt  }
0x63: {  	_ =	shalt  }
0x64: {  	_ =	shalt  }
0x65: {  	_ =	shalt  }
0x66: {  	_ =	shalt  }
0x67: {  	_ =	shalt  }
0x68: {  	_ =	shalt  }
0x69: {  	_ =	shalt  }
0x6a: {  	_ =	shalt  }
0x6b: {  	_ =	shalt  }
0x6c: {  	_ =	shalt  }
0x6d: {  	_ =	shalt  }
0x6e: {  	_ =	shalt  }
0x6f: {  	_ =	shalt  }
0x70: {  	_ =	shalt  }
0x71: {  	_ =	shalt  }
0x72: {  	_ =	shalt  }
0x73: {  	_ =	shalt  }
0x74: {  	_ =	shalt  }
0x75: {  	_ =	shalt  }
0x76: {  	_ =	shalt  }
0x77: {  	_ =	shalt  }
0x78: {  	_ =	shalt  }
0x79: {  	_ =	shalt  }
0x7a: {  	_ =	shalt  }
0x7b: {  	_ =	shalt  }
0x7c: {  	_ =	shalt  }
0x7d: {  	_ =	shalt  }
0x7e: {  	_ =	shalt  }
0x7f: {  	_ =	shalt  }
0x80: {  	_ =	shalt  }
0x81: {  	_ =	shalt  }
0x82: {  	_ =	shalt  }
0x83: {  	_ =	shalt  }
0x84: {  	_ =	shalt  }
0x85: {  	_ =	shalt  }
0x86: {  	_ =	shalt  }
0x87: {  	_ =	shalt  }
.Lfunc_end0:
.L_simem_size_0:
called_computation.1_lowered:
.L_overlay_start_0:
0x88: {  	s2 =	sld [smem:$0x3FD9]  }
0x89: {  	s3 =	sld [smem:$0x3FFE];
	_ =	sdelay $0x1  }
0x8a: {  	s1 =	srdreg.scid  }
0x8b: {  	s0 =	sand.u32 $0x1, s1  }
0x8c: {  	s17 =	sshll.u32 s0, $0xA;
	s2 =	sadd.s32 s3, s2  }
0x8d: {  	s2 =	sadd.s32 s2, s17  }
0x8e: {  	[smem:$0x3FBF] =	sst s2  }
0x8f: {  	_ = 	snop  }
0x90: {  	s2 =	sld [smem:$0x3FD0];
	(tm) =	ssettm $0x1  }
0x91: {  	s18 =	sld [smem:$0x3FFB];
	_ =	sdelay $0x3  }
0x92: {  	_ =	strace s18  }
0x93: {  	s3 =	sld [smem:$0x3FFC];
	_ =	sdelay $0x3  }
0x94: {  	_ =	strace s3  }
0x95: {  	s3 =	sld [smem:$0x3FFD];
	_ =	sdelay $0x3  }
0x96: {  	_ =	strace s3  }
0x97: {  	_ =	strace $0x8FFFFFFF  }
0x98: {  	s19 =	sld [smem:$0x3FDB];
	_ =	sdelay $0x1  }
0x99: {  	s4 =	simm.s32 $_scs_section_size  }
0x9a: {  	s5 =	simm.s32 $_size__tile_overlayer_lowered;
	s6 =	simm.s32 $_tile_overlayer_lowered  }
0x9b: {  	s22 =	simm.s32 $0x1BFF;
	s21 =	sshll.u32 s6, $0x1;
	s3 =	sadd.s32 s4, s19  }
0x9c: {  	s7 =	simm.s32 $0x0;
	s20 =	sshll.u32 s5, $0x1;
	s5 =	sadd.s32 s21, s3  }
0x9d: {  	[timem:s7], [sflag:s22] =	dma.local [hbm:s5], s20  }
0x9e: {  	_ =	swait.ge [sflag:s22], s20  }
0x9f: {  	s4 =	ssub.s32 $0x0, s20;
	[sflag:s22] =	ssyncset.done $0x0  }
0xa0: {  	[sflag:s22] =	ssyncadd.s32 s4;
	_ =	sdelay $0x1  }
0xa1: {  	s23 =	simm.s32 $0x1B8B  }
0xa2: {  	_ =	swait.ge [sflag:s23], $0x1  }
0xa3: {  	[sflag:s23] =	ssyncset.done $0x0  }
0xa4: {  	s25 =	simm.s32 $0x1B8E;
	s24 =	sld [smem:$0x3FFE];
	[sflag:s23] =	ssyncadd.s32 $0xFFFFFFFF  }
0xa5: {  	s26 =	simm.s32 $execute0_lowered;
	[smem:$0x3FD2] =	sst s25  }
0xa6: {  	s5 =	sshll.u32 s26, $0x1;
	_ =	strace $0x80000049;
	[dreg:$0x1] =	wrdreg $0xFFFFFFFF  }
0xa7: {  	s28 =	simm.s32 $_size_execute0_lowered;
	s3 =	sadd.s32 s3, s5;
	[dreg:$0x0] =	wrdreg $0x0  }
0xa8: {  	s5 =	sshll.u32 s28, $0x1;
	[dreg:$0x2] =	wrdreg s3  }
0xa9: {  	[dreg:$0x3] =	wrdreg s5  }
0xaa: {  	[dreg:$0x4] =	wrdreg $0xC0  }
0xab: {  	_ =	task [dreg:s7], $0x5FFFF  }
0xac: {  	[dreg:$0x1] =	wrdreg $0xFFFFFFFF  }
0xad: {  	[dreg:$0x0] =	wrdreg $0x60  }
0xae: {  	[dreg:$0x2] =	wrdreg s2  }
0xaf: {  	[dreg:$0x3] =	wrdreg s24  }
0xb0: {  	[dreg:$0x4] =	wrdreg $0x51000  }
0xb1: {  	[dreg:$0x5] =	wrdreg $0x9  }
0xb2: {  	_ =	task.clear_ibuf [dreg:s7], $0x6FFFF;
	_ =	strace $0x90000049  }
0xb3: {  	s29 =	simm.s32 $0x9;
	_ =	strace $0x8000004B  }
0xb4: {  	_ =	swait.ge [sflag:s29], $0x1  }
0xb5: {  	[sflag:s29] =	ssyncadd.s32 $0xFFFFFFFF  }
0xb6: {  	_ =	strace $0x9000004B  }
0xb7: {  	_ =	sfence  }
0xb8: {  	s30 =	sld [smem:$0x0];
	_ =	sdelay $0x2  }
0xb9: {  	s31 =	sshll.u32 s1, $0xD;
	s1 =	sshrl.u32 s1, $0x2  }
0xba: {  	s3 =	sand.u32 $0x4000, s31;
	s1 =	sadd.s32 s1, s30  }
0xbb: {  	s0 =	sor.u32 s3, s0;
	s1 =	sshll.u32 s1, $0x11  }
0xbc: {  	s0 =	sor.u32 s1, s0  }
0xbd: {  	s0 =	sadd.s32 $0x8F2B, s0  }
0xbe: {  	[sflag:s0] =	ssyncadd.remote.s32 $0x1  }
0xbf: {  	_ =	sfence.sel $0xFFFF  }
0xc0: {  	[dreg:$0x0] =	wrdreg $0xFFFFFFFF;
	(pc) =	sbr.abs _section_cstart, $3  }
0xc1: {  	[dreg:$0x1] =	wrdreg $0xFFFFFFFF  }
0xc2: {  	_ =	task.clear_ibuf [dreg:s7], $0x2FFFF;
	_ =	strace $0x9FFFFFFF  }
0xc3: {  	(tm) =	ssettm $0x7FFFFFFF  }
tec
execute0_lowered:
.L_overlay_start_1:
0x0: {  	(tag) =	ssettag $0x1  }
0x1: {  	s1 =	rddreg [dreg:$0x0]  }
0x2: {  	s2 =	srdreg.scid;
	s6 =	rddreg [dreg:$0x1]  }
0x3: {  	s0 =	stileid.u32;
	s3 =	rddreg [dreg:$0x2];
	s4 =	simm.s32 $0x0  }
0x4: {  	s14 =	simm.s32 $0x80;
	s15 =	simm.s32 $0x5000;
	s16 =	simm.s32 $0x5080  }
0x5: {  	s17 =	simm.s32 $0x1;
	s18 =	simm.s32 $0x4;
	s19 =	simm.s32 $0x2  }
0x6: {  	s20 =	simm.s32 $0x2780;
	s21 =	simm.s32 $0x4F00;
	s22 =	simm.s32 $0x4F80  }
0x7: {  	s23 =	simm.s32 $0x20;
	s24 =	simm.s32 $0x10;
	s5 =	sand.u32 $0x1, s2  }
0x8: {  	s25 =	sshll.u32 s0, $0x1;
	s8 =	smul.u32 $0x500, s0;
	[smem:$0x7FF] =	sst s4  }
0x9: {  	s9 =	smul.u32 $0x280, s0;
	s31 =	sshll.u32 s0, $0x6;
	s2 =	sor.u32 s5, s25  }
0xa: {  	s10 =	sshll.u32 s5, $0x7;
	s5 =	ssub.s32 $0x2, s5;
	s25 =	simm.s32 $0x0  }
0xb: {  	s7 =	smul.u32 $0x500, s2;
	s2 =	rddreg [dreg:$0x3];
	_ =	strace $0x8000004A  }
0xc: {  	s26 =	sor.u32 s10, s8;
	s28 =	sshrl.u32 s9, $0x3;
	s30 =	sshrl.u32 s5, $0x1  }
0xd: {  	s13 =	sadd.s32 s9, s3;
	s8 =	sadd.s32 s28, s6;
	s12 =	ssub.s32 s5, s30  }
0xe: {  	s11 =	sadd.s32 s7, s6;
	s7 =	sshrl.u32 s26, $0x3;
	s5 =	sadd.s32 $0x14C00, s8  }
0xf: {  	s10 =	smax.u32 s12, $0x1;
	s12 =	simm.s32 $0x3;
	s29 =	sadd.s32 s7, s6  }
0x10: {  	s6 =	sor.u32 $0x1C03, s31;
	s7 =	sadd.s32 $0xAC00, s11;
	s8 =	sadd.s32 $0xC00, s11  }
0x11: {  	s11 =	sshrl.u32 s13, $0x3;
	s13 =	simm.s32 $0x2800;
	s9 =	sadd.s32 $0x15200, s29  }
.LBB2_1:
0x12: {  	[spmem:s11], [sflag:s6] =	dma.local [hbm:s5], $0x50  }
0x13: {  	_ =	swait.ge [sflag:s12], $0x50  }
0x14: {  	[sflag:s12] =	ssyncset.done $0x0  }
0x15: {  	[sflag:s12] =	ssyncadd.s32 $0xFFFFFFB0  }
0x16: {  	[tilespmem:s4], [sflag:$0x3] =	stream.linear.gather [hbm4b:s7+s4], $0x2800, $0x38;
	[tilespmem:$0x5380] =	vst v63  }
0x17: {  	_ =	swait.ge [sflag:s12], $0x2800  }
0x18: {  	[sflag:s12] =	ssyncset.done $0x0  }
0x19: {  	[sflag:s12] =	ssyncadd.s32 $0xFFFFD800  }
0x1a: {  	[tilespmem:s13], [sflag:$0x3] =	stream.linear.gather [hbm4b:s8+s4], $0x2800, $0x38;
	[tilespmem:$0x5380] =	vst v63  }
0x1b: {  	_ =	swait.ge [sflag:s12], $0x2800  }
0x1c: {  	[sflag:s12] =	ssyncset.done $0x0  }
0x1d: {  	[sflag:s12] =	ssyncadd.s32 $0xFFFFD800  }
0x1e: {  	[bflag:$0x0] =	sbarrier.arrive $0xFFFF  }
0x1f: {  	[tilespmem:s15], [sflag:$0x1] =	stream.indirect.gather [hbm4b:s1+s14], $0x1, s4, s14, $0xb8;
	[tilespmem:$0x5380] =	vst v63  }
0x20: {  	s26 =	simm.s32 $0x80  }
0x21: {  	[tilespmem:s16], [sflag:$0x2] =	stream.indirect.gather [hbm4b:s1+s14], $0x1, s26, s14, $0xb8;
	[tilespmem:$0x5380] =	vst v63  }
0x22: {  	_ =	swait.ge [sflag:s17], $0x80  }
0x23: {  	[sflag:s17] =	ssyncset.done $0x0  }
0x24: {  	s29 =	simm.s32 $0x2800;
	[sflag:s17] =	ssyncadd.s32 $0xFFFFFF80  }
0x25: {  	[spmem:s3] =	stream.indirect.scatter.add.f32 [tilespmem:s15], [sflag:$0x4], $0x1, s29, s14, $0xb8;
	[tilespmem:$0x5380] =	vst v63  }
0x26: {  	_ =	swait.ge [sflag:s18], $0x80  }
0x27: {  	[sflag:s18] =	ssyncset.done $0x0  }
0x28: {  	s30 =	simm.s32 $0x100;
	[sflag:s18] =	ssyncadd.s32 $0xFFFFFF80  }
0x29: {  	[tilespmem:s15], [sflag:$0x1] =	stream.indirect.gather [hbm4b:s1+s14], $0x1, s30, s14, $0xb8;
	[tilespmem:$0x5380] =	vst v63  }
0x2a: {  	_ =	swait.ge [sflag:s19], $0x80  }
0x2b: {  	[sflag:s19] =	ssyncset.done $0x0  }
0x2c: {  	s31 =	simm.s32 $0x2880;
	[sflag:s19] =	ssyncadd.s32 $0xFFFFFF80  }
0x2d: {  	[spmem:s3] =	stream.indirect.scatter.add.f32 [tilespmem:s16], [sflag:$0x3], $0x1, s31, s14, $0xb8;
	[tilespmem:$0x5380] =	vst v63  }
0x2e: {  	_ =	swait.ge [sflag:s12], $0x80  }
0x2f: {  	s28 =	simm.s32 $0x800;
	s26 =	simm.s32 $0x100;
	[sflag:s12] =	ssyncset.done $0x0  }
.LBB2_2:
0x30: {  	s29 =	sadd.s32 $0x80, s26  }
0x31: {  	[sflag:s12] =	ssyncadd.s32 $0xFFFFFF80;
	s30 =	smov.u32 s28;
	s31 =	sadd.s32 $0x400, s28  }
0x32: {  	[tilespmem:s16], [sflag:$0x2] =	stream.indirect.gather [hbm4b:s1+s14], $0x1, s29, s14, $0xb8;
	[tilespmem:$0x5380] =	vst v63  }
0x33: {  	p0 =	sne.s32 s28, $0x9800;
	_ =	swait.ge [sflag:s17], $0x80  }
0x34: {  	[sflag:s17] =	ssyncset.done $0x0  }
0x35: {  	s28 =	sadd.s32 $0x2800, s26;
	[sflag:s17] =	ssyncadd.s32 $0xFFFFFF80  }
0x36: {  	[spmem:s3] =	stream.indirect.scatter.add.f32 [tilespmem:s15], [sflag:$0x4], $0x1, s28, s14, $0xb8;
	[tilespmem:$0x5380] =	vst v63  }
0x37: {  	_ =	swait.ge [sflag:s18], $0x80  }
0x38: {  	[sflag:s18] =	ssyncset.done $0x0  }
0x39: {  	s28 =	sadd.s32 $0x100, s26;
	[sflag:s18] =	ssyncadd.s32 $0xFFFFFF80  }
0x3a: {  	[tilespmem:s15], [sflag:$0x1] =	stream.indirect.gather [hbm4b:s1+s14], $0x1, s28, s14, $0xb8;
	[tilespmem:$0x5380] =	vst v63  }
0x3b: {  	_ =	swait.ge [sflag:s19], $0x80  }
.Ltmp0:
0x3c: {  	[sflag:s19] =	ssyncset.done $0x0;
	(pc) =	sbr.rel @p0 .LBB2_2-.Ltmp0, $4  }
0x3d: {  	s26 =	sadd.s32 $0x2880, s26;
	[sflag:s19] =	ssyncadd.s32 $0xFFFFFF80  }
0x3e: {  	[spmem:s3] =	stream.indirect.scatter.add.f32 [tilespmem:s16], [sflag:$0x3], $0x1, s26, s14, $0xb8;
	[tilespmem:$0x5380] =	vst v63  }
0x3f: {  	_ =	swait.ge [sflag:s12], $0x80  }
0x40: {  	s28 =	smov.u32 s31;
	s26 =	sshra.s32 s30, $0x2;
	[sflag:s12] =	ssyncset.done $0x0  }
0x41: {  	s28 =	sadd.s32 $0x80, s26;
	[sflag:s12] =	ssyncadd.s32 $0xFFFFFF80  }
0x42: {  	[tilespmem:s16], [sflag:$0x2] =	stream.indirect.gather [hbm4b:s1+s14], $0x1, s28, s14, $0xb8;
	[tilespmem:$0x5380] =	vst v63  }
0x43: {  	_ =	swait.ge [sflag:s17], $0x80  }
0x44: {  	[sflag:s17] =	ssyncset.done $0x0  }
0x45: {  	s29 =	sadd.s32 $0x2800, s26;
	[sflag:s17] =	ssyncadd.s32 $0xFFFFFF80  }
0x46: {  	[spmem:s3] =	stream.indirect.scatter.add.f32 [tilespmem:s15], [sflag:$0x4], $0x1, s29, s14, $0xb8;
	[tilespmem:$0x5380] =	vst v63  }
0x47: {  	_ =	swait.ge [sflag:s18], $0x80  }
0x48: {  	[sflag:s18] =	ssyncset.done $0x0  }
0x49: {  	s30 =	sadd.s32 $0x100, s26;
	[sflag:s18] =	ssyncadd.s32 $0xFFFFFF80  }
0x4a: {  	[tilespmem:s15], [sflag:$0x1] =	stream.indirect.gather [hbm4b:s1+s14], $0x1, s30, s14, $0xb8;
	[tilespmem:$0x5380] =	vst v63  }
0x4b: {  	_ =	swait.ge [sflag:s19], $0x80  }
0x4c: {  	[sflag:s19] =	ssyncset.done $0x0  }
0x4d: {  	s31 =	sadd.s32 $0x2880, s26;
	[sflag:s19] =	ssyncadd.s32 $0xFFFFFF80  }
0x4e: {  	[spmem:s3] =	stream.indirect.scatter.add.f32 [tilespmem:s16], [sflag:$0x3], $0x1, s31, s14, $0xb8;
	[tilespmem:$0x5380] =	vst v63  }
0x4f: {  	_ =	swait.ge [sflag:s12], $0x80  }
0x50: {  	[sflag:s12] =	ssyncset.done $0x0  }
0x51: {  	[sflag:s12] =	ssyncadd.s32 $0xFFFFFF80  }
0x52: {  	[tilespmem:s16], [sflag:$0x2] =	stream.indirect.gather [hbm4b:s1+s14], $0x1, s20, s14, $0xb8;
	[tilespmem:$0x5380] =	vst v63  }
0x53: {  	_ =	swait.ge [sflag:s17], $0x80  }
0x54: {  	[sflag:s17] =	ssyncset.done $0x0  }
0x55: {  	[sflag:s17] =	ssyncadd.s32 $0xFFFFFF80  }
0x56: {  	[spmem:s3] =	stream.indirect.scatter.add.f32 [tilespmem:s15], [sflag:$0x4], $0x1, s21, s14, $0xb8;
	[tilespmem:$0x5380] =	vst v63  }
0x57: {  	_ =	swait.ge [sflag:s18], $0x80  }
0x58: {  	[sflag:s18] =	ssyncset.done $0x0  }
0x59: {  	[sflag:s18] =	ssyncadd.s32 $0xFFFFFF80  }
0x5a: {  	_ =	swait.ge [sflag:s19], $0x80  }
0x5b: {  	[sflag:s19] =	ssyncset.done $0x0  }
0x5c: {  	[sflag:s19] =	ssyncadd.s32 $0xFFFFFF80  }
0x5d: {  	[spmem:s3] =	stream.indirect.scatter.add.f32 [tilespmem:s16], [sflag:$0x3], $0x1, s22, s14, $0xb8;
	[tilespmem:$0x5380] =	vst v63  }
0x5e: {  	_ =	swait.ge [sflag:s12], $0x80  }
0x5f: {  	s25 =	sadd.s32 $0x1, s25;
	[sflag:s12] =	ssyncset.done $0x0  }
0x60: {  	p0 =	sne.s32 s25, s10;
	[sflag:s12] =	ssyncadd.s32 $0xFFFFFF80  }
.Ltmp1:
0x61: {  	[bflag:$0x0] =	sbarrier.arrive $0xFFFF;
	(pc) =	sbr.rel @p0 .LBB2_1-.Ltmp1, $4  }
0x62: {  	[hbm:s9@s23], [sflag:s6] =	dma.strided [spmem:s11@s24], $0x50, s17, $0x10   }
0x63: {  	_ =	swait.ge [sflag:s12], $0x50  }
0x64: {  	[sflag:s12] =	ssyncset.done $0x0  }
0x65: {  	[sflag:s12] =	ssyncadd.s32 $0xFFFFFFB0  }
0x66: {  	_ =	sfence.sel $0x180000  }
0x67: {  	[bflag:$0x0] =	sbarrier.arrive $0xFFFF  }
0x68: {  	p0 =	sne.s32 s0, $0x0;
	_ =	strace $0x9000004A  }
0x69: {  	s0 =	sadd.s32 @!p0 $0x100000, s2;
	[bflag:$0x2] =	sbarrier.arrive $0xFFFF  }
0x6a: {  	[sflag:s0] =	ssyncadd.tile.s32 @!p0 $0x1;
	_ =	shalt  }
.Lfunc_end2:
_tile_overlayer_lowered:
.L_overlay_start_2:
0x6b: {  	(tag) =	ssettag $0x2  }
0x6c: {  	s0 =	rddreg [dreg:$0x0];
	s2 =	stileid.u32  }
0x6d: {  	s1 =	rddreg [dreg:$0x1];
	p0 =	sne.s32 s2, $0x0  }
0x6e: {  	s3 =	rddreg [dreg:$0x2];
	[bflag:$0x3] =	sbarrier.arrive $0xFFFF;
	s2 =	simm.s32 @!p0 $0x1C03  }
0x6f: {  	[timem:s3], [sflag:s2] =	dma.local @!p0 [hbm:s0], s1  }
0x70: {  	s0 =	simm.s32 @!p0 $0x3  }
0x71: {  	_ =	swait.ge @!p0 [sflag:s0], s1  }
0x72: {  	s1 =	ssub.s32 @!p0 $0x0, s1;
	[sflag:s0] =	ssyncset.done @!p0 $0x0  }
0x73: {  	[sflag:s0] =	ssyncadd.s32 @!p0 s1  }
0x74: {  	[bflag:$0x3] =	sbarrier.arrive $0xFFFF  }
0x75: {  	_ =	shalt  }

</sc_bundles>
